<compile_context>
chip_gen: v7x
topology: tpu7x:2x2x1
jax: 0.10.2.dev20260603
libtpu: 0.0.44.dev20260713+nightly
codegen_flags: <defaults>
</compile_context>

<pallas_src>
import math

import jax
import jax.numpy as jnp
from jax import lax
from jax.experimental import pallas as pl
from jax.experimental.pallas import tpu as pltpu
from jax.experimental.pallas import tpu_sc as plsc

EMB = 64
SCALE = math.sqrt(EMB)

NC = 2
NS = 16
NW = NC * NS

BW = 128
TB = 512


def _transpose_body(tab_t_hbm, out_hbm, sb0, sb1, tb_v, tail_s, tail_t, sem0, sem1):
    vocab = tab_t_hbm.shape[1]
    n_full = vocab // TB
    per_w = (n_full + NW - 1) // NW
    wid = lax.axis_index("s") * NC + lax.axis_index("c")

    lane64 = lax.shift_left(lax.iota(jnp.int32, 16), 6)

    def v0_of(i):
        m = jnp.minimum(wid + NW * i, n_full - 1)
        return pl.multiple_of(m * TB, TB)

    def fire(i, sb, sem):
        pltpu.async_copy(tab_t_hbm.at[:, pl.ds(v0_of(i), TB)], sb, sem)

    def drain(i, sb, sem):
        pltpu.make_async_copy(
            tab_t_hbm.at[:, pl.ds(v0_of(i), TB)], sb, sem
        ).wait()

    def transpose_block(i, sb):
        @plsc.parallel_loop(0, EMB * (TB // 16), 1, unroll=8)
        def _(k):
            e = jnp.bitwise_and(k, EMB - 1)
            g = lax.shift_right_logical(k, 6)
            x = sb[e, pl.ds(g * 16, 16)] * SCALE
            plsc.store_scatter(tb_v, [lane64 + lax.shift_left(g, 10) + e], x)

        pltpu.sync_copy(tb_v, out_hbm.at[pl.ds(v0_of(i) * EMB, TB * EMB)])

    fire(0, sb0, sem0)

    def pair(p, _):
        i0 = 2 * p
        fire(i0 + 1, sb1, sem1)
        drain(i0, sb0, sem0)
        transpose_block(i0, sb0)
        nxt = jnp.where(i0 + 2 < per_w, i0 + 2, 0)
        fire(nxt, sb0, sem0)
        drain(i0 + 1, sb1, sem1)
        transpose_block(i0 + 1, sb1)
        return _

    lax.fori_loop(0, per_w // 2, pair, None)
    drain(0, sb0, sem0)

    v0t = n_full * TB
    pltpu.sync_copy(tab_t_hbm.at[:, pl.ds(v0t, EMB)], tail_s)

    @plsc.parallel_loop(0, EMB * (EMB // 16), 1, unroll=8)
    def _(k):
        e = jnp.bitwise_and(k, EMB - 1)
        g = lax.shift_right_logical(k, 6)
        x = tail_s[e, pl.ds(g * 16, 16)] * SCALE
        plsc.store_scatter(tail_t, [lane64 + lax.shift_left(g, 10) + e], x)
    pltpu.sync_copy(tail_t, out_hbm.at[pl.ds(v0t * EMB, EMB * EMB)])


def _transpose_scale(table_t):
    emb, vocab = table_t.shape
    mesh = plsc.VectorSubcoreMesh(core_axis_name="c", subcore_axis_name="s")
    return pl.kernel(
        _transpose_body,
        out_type=jax.ShapeDtypeStruct((vocab * emb,), jnp.float32),
        mesh=mesh,
        compiler_params=pltpu.CompilerParams(needs_layout_passes=False),
        scratch_types=[
            pltpu.VMEM((EMB, TB), jnp.float32),
            pltpu.VMEM((EMB, TB), jnp.float32),
            pltpu.VMEM((TB * EMB,), jnp.float32),
            pltpu.VMEM((EMB, EMB), jnp.float32),
            pltpu.VMEM((EMB * EMB,), jnp.float32),
            pltpu.SemaphoreType.DMA,
            pltpu.SemaphoreType.DMA,
        ],
    )(table_t)


def _gather_body(tokens_t_hbm, table_hbm, out_hbm, idx_all, rb0, rb1, tr, gs0, gs1):
    seq = tokens_t_hbm.shape[0]
    wid = lax.axis_index("s") * NC + lax.axis_index("c")

    pltpu.sync_copy(tokens_t_hbm.at[:, pl.ds(wid * BW, BW)], idx_all)

    lane = lax.iota(jnp.int32, 16)
    rsh3 = lax.shift_right_logical(lane, 3)
    cvec = lax.shift_left(jnp.bitwise_and(lane, 7), 7)

    def fire(t, rb, sem):
        pltpu.async_copy(table_hbm.at[idx_all.at[t]], rb, sem)

    def drain(t, rb, sem):
        pltpu.make_async_copy(table_hbm.at[idx_all.at[t]], rb, sem).wait()

    def process(t, rb):
        @plsc.parallel_loop(0, BW * (EMB // 16), 1, unroll=8)
        def _(k):
            bm = lax.shift_right_logical(k, 2)
            j = jnp.bitwise_and(k, 3)
            x = rb[bm, pl.ds(j * 16, 16)]
            plsc.store_scatter(tr, [lax.shift_left(j, 1) + rsh3, cvec + bm], x)

        for i in range(8):
            pltpu.sync_copy(tr.at[i], out_hbm.at[t, i, wid])

    fire(0, rb0, gs0)

    def pair(p, _):
        t0 = 2 * p
        fire(t0 + 1, rb1, gs1)
        drain(t0, rb0, gs0)
        process(t0, rb0)
        nxt = jnp.where(t0 + 2 < seq, t0 + 2, 0)
        fire(nxt, rb0, gs0)
        drain(t0 + 1, rb1, gs1)
        process(t0 + 1, rb1)
        return _

    lax.fori_loop(0, seq // 2, pair, None)
    drain(0, rb0, gs0)


def _gather(tokens_t, table_lin, seq):
    mesh = plsc.VectorSubcoreMesh(core_axis_name="c", subcore_axis_name="s")
    return pl.kernel(
        _gather_body,
        out_type=jax.ShapeDtypeStruct((seq, EMB // 8, NW, 8 * BW), jnp.float32),
        mesh=mesh,
        compiler_params=pltpu.CompilerParams(
            use_tc_tiling_on_sc=False, needs_layout_passes=False
        ),
        scratch_types=[
            pltpu.VMEM((seq, BW), jnp.int32),
            pltpu.VMEM((BW, EMB), jnp.float32),
            pltpu.VMEM((BW, EMB), jnp.float32),
            pltpu.VMEM((EMB // 8, 8 * BW), jnp.float32),
            pltpu.SemaphoreType.DMA,
            pltpu.SemaphoreType.DMA,
        ],
    )(tokens_t, table_lin)


def kernel(tokens, table):
    b, s = tokens.shape
    vocab, emb = table.shape
    tokens_t = tokens.T.astype(jnp.int32)
    table_t = table.T
    table_lin = _transpose_scale(table_t).reshape(vocab, emb)
    p = _gather(tokens_t, table_lin, s)
    p5 = p.reshape(s, emb // 8, NW, 8, BW)
    return p5.transpose(2, 4, 0, 1, 3).reshape(b, s, emb)

# --- scband reference (transcript-rebuilt; emitter-appended) ---
"""Pipeline reference for scband-token-embedding-4904852652478 (READ-ONLY COPY).

The authoritative reference and input builder live on the scoring server;
editing this copy changes nothing except your own understanding.
"""

import jax, jax.numpy as jnp
import numpy as np
import math

VOCAB_SIZE = 1000000
EMB_SIZE = 64

def setup_inputs(seed: int = 0) -> dict:
    key = jax.random.key(seed)
    k1, k2 = jax.random.split(key)
    tokens = jax.random.randint(k1, (4096, 200), 0, VOCAB_SIZE, dtype=jnp.int64 if jax.config.jax_enable_x64 else jnp.int32)
    table = jax.random.normal(k2, (VOCAB_SIZE, EMB_SIZE), dtype=jnp.float32)
    return {"tokens": tokens, "table": table}

def reference(tokens, table):
    # TokenEmbedding.forward: embedding(tokens.long()) * sqrt(emb_size)
    emb = jnp.take(table, tokens, axis=0)
    return emb * math.sqrt(EMB_SIZE)

if __name__ == "__main__":
    import jax
    _d = setup_inputs()
    print(jax.jit(kernel)(*tuple(_d.values())))

</pallas_src>

<mosaic_0001>
#map = affine_map<(d0, d1) -> (0, 0)>
#map1 = affine_map<(d0, d1) -> (0)>
module attributes {stable_mosaic.version = 14 : i64} {
  func.func @_transpose_body(%arg0: i32, %arg1: i32, %arg2: memref<64x1000000xf32, #tpu.memory_space<hbm>>, %arg3: memref<64000000xf32, #tpu.memory_space<hbm>>, %arg4: memref<64x512xf32, #tpu.memory_space<vmem>>, %arg5: memref<64x512xf32, #tpu.memory_space<vmem>>, %arg6: memref<32768xf32, #tpu.memory_space<vmem>>, %arg7: memref<64x64xf32, #tpu.memory_space<vmem>>, %arg8: memref<4096xf32, #tpu.memory_space<vmem>>, %arg9: memref<!tpu.dma_semaphore, #tpu.memory_space<semaphore_mem>>, %arg10: memref<!tpu.dma_semaphore, #tpu.memory_space<semaphore_mem>>) attributes {dimension_semantics = [#tpu.dimension_semantics<core_parallel>, #tpu.dimension_semantics<subcore_parallel>], iteration_bounds = array<i64: 2, 16>, scalar_prefetch = 0 : i64, scratch_operands = 7 : i64, tpu.core_type = #tpu.core_type<sc_vector_subcore>, window_params = [{transform_indices = #map}, {transform_indices = #map1}]} {
    %mul3A = arith.constant 2 : i32
    %mul3A_0 = arith.muli %arg1, %mul3A : i32
    %add3A = arith.addi %mul3A_0, %arg0 : i32
    %iota3A = tpu.iota {dimensions = array<i32: 0>} : vector<16xi32>
    %shift_left3A = arith.constant 6 : i32
    %shift_left3A_1 = vector.broadcast %shift_left3A : i32 to vector<16xi32>
    %shift_left3A_2 = arith.shli %iota3A, %shift_left3A_1 : vector<16xi32>
    %add3A_3 = arith.constant 0 : i32
    %add3A_4 = arith.addi %add3A, %add3A_3 : i32
    %min3A = arith.constant 1952 : i32
    %min3A_5 = arith.minsi %add3A_4, %min3A : i32
    %mul3A_6 = arith.constant 512 : i32
    %mul3A_7 = arith.muli %min3A_5, %mul3A_6 : i32
    %multiple_of3A = tpu.assume_multiple %mul3A_7, 512 : i32
    %dma_start3A = arith.constant 0 : i32
    %dma_start3A_8 = tpu.memref_slice %arg2[%dma_start3A, %multiple_of3A] : memref<64x1000000xf32, #tpu.memory_space<hbm>> -> memref<64x512xf32, #tpu.memory_space<hbm>>
    %dma_start3A_9 = arith.constant 0 : i32
    %dma_start3A_10 = tpu.memref_slice %arg2[%dma_start3A_9, %multiple_of3A] : memref<64x1000000xf32, #tpu.memory_space<hbm>> -> memref<64x512xf32, #tpu.memory_space<hbm>>
    tpu.enqueue_dma source(%dma_start3A_10 : memref<64x512xf32, #tpu.memory_space<hbm>>) target(%arg4 : memref<64x512xf32, #tpu.memory_space<vmem>>) target_semaphore(%arg9 : memref<!tpu.dma_semaphore, #tpu.memory_space<semaphore_mem>>)
    %scan3A = arith.constant 0 : i32
    %scan3A_11 = arith.constant 31 : i32
    %scan3A_12 = arith.addi %scan3A, %scan3A_11 : i32
    %scan3A_13 = arith.constant 1 : i32
    scf.for %scan3A_27 = %scan3A to %scan3A_12 step %scan3A_13  : i32 {
      %mul3A_28 = arith.constant 2 : i32
      %mul3A_29 = arith.muli %mul3A_28, %scan3A_27 : i32
      %add3A_30 = arith.constant 1 : i32
      %add3A_31 = arith.addi %mul3A_29, %add3A_30 : i32
      %mul3A_32 = arith.constant 32 : i32
      %mul3A_33 = arith.muli %mul3A_32, %add3A_31 : i32
      %add3A_34 = arith.addi %add3A, %mul3A_33 : i32
      %min3A_35 = arith.constant 1952 : i32
      %min3A_36 = arith.minsi %add3A_34, %min3A_35 : i32
      %mul3A_37 = arith.constant 512 : i32
      %mul3A_38 = arith.muli %min3A_36, %mul3A_37 : i32
      %multiple_of3A_39 = tpu.assume_multiple %mul3A_38, 512 : i32
      %dma_start3A_40 = arith.constant 0 : i32
      %dma_start3A_41 = tpu.memref_slice %arg2[%dma_start3A_40, %multiple_of3A_39] : memref<64x1000000xf32, #tpu.memory_space<hbm>> -> memref<64x512xf32, #tpu.memory_space<hbm>>
      %dma_start3A_42 = arith.constant 0 : i32
      %dma_start3A_43 = tpu.memref_slice %arg2[%dma_start3A_42, %multiple_of3A_39] : memref<64x1000000xf32, #tpu.memory_space<hbm>> -> memref<64x512xf32, #tpu.memory_space<hbm>>
      tpu.enqueue_dma source(%dma_start3A_43 : memref<64x512xf32, #tpu.memory_space<hbm>>) target(%arg5 : memref<64x512xf32, #tpu.memory_space<vmem>>) target_semaphore(%arg10 : memref<!tpu.dma_semaphore, #tpu.memory_space<semaphore_mem>>)
      %mul3A_44 = arith.constant 32 : i32
      %mul3A_45 = arith.muli %mul3A_44, %mul3A_29 : i32
      %add3A_46 = arith.addi %add3A, %mul3A_45 : i32
      %min3A_47 = arith.constant 1952 : i32
      %min3A_48 = arith.minsi %add3A_46, %min3A_47 : i32
      %mul3A_49 = arith.constant 512 : i32
      %mul3A_50 = arith.muli %min3A_48, %mul3A_49 : i32
      %multiple_of3A_51 = tpu.assume_multiple %mul3A_50, 512 : i32
      %dma_wait3A_52 = arith.constant 0 : i32
      %dma_wait3A_53 = tpu.memref_slice %arg2[%dma_wait3A_52, %multiple_of3A_51] : memref<64x1000000xf32, #tpu.memory_space<hbm>> -> memref<64x512xf32, #tpu.memory_space<hbm>>
      %dma_wait3A_54 = arith.constant 0 : i32
      %dma_wait3A_55 = tpu.memref_slice %arg2[%dma_wait3A_54, %multiple_of3A_51] : memref<64x1000000xf32, #tpu.memory_space<hbm>> -> memref<64x512xf32, #tpu.memory_space<hbm>>
      tpu.wait_dma2 semaphore(%arg9 : memref<!tpu.dma_semaphore, #tpu.memory_space<semaphore_mem>>) src(%dma_wait3A_55 : memref<64x512xf32, #tpu.memory_space<hbm>>) dst(%arg4 : memref<64x512xf32, #tpu.memory_space<vmem>>)
      %parallel_loop3A_56 = arith.constant 0 : i32
      %parallel_loop3A_57 = arith.constant 2048 : i32
      %parallel_loop3A_58 = arith.constant 1 : i32
      scf.for %parallel_loop3A_115 = %parallel_loop3A_56 to %parallel_loop3A_57 step %parallel_loop3A_58  : i32 {
        %parallel_loop3A_116 = arith.constant 63 : i32
        %parallel_loop3A_117 = arith.andi %parallel_loop3A_115, %parallel_loop3A_116 : i32
        %parallel_loop3A_118 = arith.constant 6 : i32
        %parallel_loop3A_119 = arith.shrui %parallel_loop3A_115, %parallel_loop3A_118 : i32
        %parallel_loop3A_120 = arith.constant 16 : i32
        %parallel_loop3A_121 = arith.muli %parallel_loop3A_119, %parallel_loop3A_120 : i32
        %parallel_loop3A_122 = arith.index_cast %parallel_loop3A_117 : i32 to index
        %parallel_loop3A_123 = arith.index_cast %parallel_loop3A_121 : i32 to index
        %parallel_loop3A_124 = tpu.vector_load %arg4[%parallel_loop3A_122, %parallel_loop3A_123] {strides = array<i32>} : memref<64x512xf32, #tpu.memory_space<vmem>>, vector<16xf32>,
        %parallel_loop3A_125 = arith.constant 8.000000e+00 : f32
        %parallel_loop3A_126 = vector.broadcast %parallel_loop3A_125 : f32 to vector<16xf32>
        %parallel_loop3A_127 = arith.mulf %parallel_loop3A_124, %parallel_loop3A_126 : vector<16xf32>
        %parallel_loop3A_128 = arith.constant 10 : i32
        %parallel_loop3A_129 = arith.shli %parallel_loop3A_119, %parallel_loop3A_128 : i32
        %parallel_loop3A_130 = vector.broadcast %parallel_loop3A_129 : i32 to vector<16xi32>
        %parallel_loop3A_131 = arith.addi %shift_left3A_2, %parallel_loop3A_130 : vector<16xi32>
        %parallel_loop3A_132 = vector.broadcast %parallel_loop3A_117 : i32 to vector<16xi32>
        %parallel_loop3A_133 = arith.addi %parallel_loop3A_131, %parallel_loop3A_132 : vector<16xi32>
        tpu.vector_store_idx %arg6[%parallel_loop3A_133], %parallel_loop3A_127 : memref<32768xf32, #tpu.memory_space<vmem>>[vector<16xi32>], vector<16xf32>,
      } {sc.loop_unroll_factor = 8 : i64, sc.parallel_access}
      %mul3A_59 = arith.constant 32 : i32
      %mul3A_60 = arith.muli %mul3A_59, %mul3A_29 : i32
      %add3A_61 = arith.addi %add3A, %mul3A_60 : i32
      %min3A_62 = arith.constant 1952 : i32
      %min3A_63 = arith.minsi %add3A_61, %min3A_62 : i32
      %mul3A_64 = arith.constant 512 : i32
      %mul3A_65 = arith.muli %min3A_63, %mul3A_64 : i32
      %multiple_of3A_66 = tpu.assume_multiple %mul3A_65, 512 : i32
      %mul3A_67 = arith.constant 64 : i32
      %mul3A_68 = arith.muli %multiple_of3A_66, %mul3A_67 : i32
      "tpu.region"() ({
        %run_scoped3A = tpu.sem_alloc : memref<!tpu.dma_semaphore, #tpu.memory_space<semaphore_mem>>
        %dma_start3A_115 = tpu.memref_slice %arg3[%mul3A_68] : memref<64000000xf32, #tpu.memory_space<hbm>> -> memref<32768xf32, #tpu.memory_space<hbm>>
        %dma_start3A_116 = tpu.memref_slice %arg3[%mul3A_68] : memref<64000000xf32, #tpu.memory_space<hbm>> -> memref<32768xf32, #tpu.memory_space<hbm>>
        tpu.enqueue_dma source(%arg6 : memref<32768xf32, #tpu.memory_space<vmem>>) target(%dma_start3A_116 : memref<32768xf32, #tpu.memory_space<hbm>>) target_semaphore(%run_scoped3A : memref<!tpu.dma_semaphore, #tpu.memory_space<semaphore_mem>>)
        %dma_wait3A_117 = tpu.memref_slice %arg3[%mul3A_68] : memref<64000000xf32, #tpu.memory_space<hbm>> -> memref<32768xf32, #tpu.memory_space<hbm>>
        %dma_wait3A_118 = tpu.memref_slice %arg3[%mul3A_68] : memref<64000000xf32, #tpu.memory_space<hbm>> -> memref<32768xf32, #tpu.memory_space<hbm>>
        tpu.wait_dma2 semaphore(%run_scoped3A : memref<!tpu.dma_semaphore, #tpu.memory_space<semaphore_mem>>) src(%arg6 : memref<32768xf32, #tpu.memory_space<vmem>>) dst(%dma_wait3A_118 : memref<32768xf32, #tpu.memory_space<hbm>>)
        tpu.yield
      }) : () -> ()
      %add3A_69 = arith.constant 2 : i32
      %add3A_70 = arith.addi %mul3A_29, %add3A_69 : i32
      %lt3A = arith.constant 62 : i32
      %lt3A_71 = arith.cmpi slt, %add3A_70, %lt3A : i32
      %add3A_72 = arith.constant 2 : i32
      %add3A_73 = arith.addi %mul3A_29, %add3A_72 : i32
      %jit3A = arith.constant 0 : i32
      %select_n3A = arith.select %lt3A_71, %add3A_73, %jit3A : i32
      %mul3A_74 = arith.constant 32 : i32
      %mul3A_75 = arith.muli %mul3A_74, %select_n3A : i32
      %add3A_76 = arith.addi %add3A, %mul3A_75 : i32
      %min3A_77 = arith.constant 1952 : i32
      %min3A_78 = arith.minsi %add3A_76, %min3A_77 : i32
      %mul3A_79 = arith.constant 512 : i32
      %mul3A_80 = arith.muli %min3A_78, %mul3A_79 : i32
      %multiple_of3A_81 = tpu.assume_multiple %mul3A_80, 512 : i32
      %dma_start3A_82 = arith.constant 0 : i32
      %dma_start3A_83 = tpu.memref_slice %arg2[%dma_start3A_82, %multiple_of3A_81] : memref<64x1000000xf32, #tpu.memory_space<hbm>> -> memref<64x512xf32, #tpu.memory_space<hbm>>
      %dma_start3A_84 = arith.constant 0 : i32
      %dma_start3A_85 = tpu.memref_slice %arg2[%dma_start3A_84, %multiple_of3A_81] : memref<64x1000000xf32, #tpu.memory_space<hbm>> -> memref<64x512xf32, #tpu.memory_space<hbm>>
      tpu.enqueue_dma source(%dma_start3A_85 : memref<64x512xf32, #tpu.memory_space<hbm>>) target(%arg4 : memref<64x512xf32, #tpu.memory_space<vmem>>) target_semaphore(%arg9 : memref<!tpu.dma_semaphore, #tpu.memory_space<semaphore_mem>>)
      %add3A_86 = arith.constant 1 : i32
      %add3A_87 = arith.addi %mul3A_29, %add3A_86 : i32
      %mul3A_88 = arith.constant 32 : i32
      %mul3A_89 = arith.muli %mul3A_88, %add3A_87 : i32
      %add3A_90 = arith.addi %add3A, %mul3A_89 : i32
      %min3A_91 = arith.constant 1952 : i32
      %min3A_92 = arith.minsi %add3A_90, %min3A_91 : i32
      %mul3A_93 = arith.constant 512 : i32
      %mul3A_94 = arith.muli %min3A_92, %mul3A_93 : i32
      %multiple_of3A_95 = tpu.assume_multiple %mul3A_94, 512 : i32
      %dma_wait3A_96 = arith.constant 0 : i32
      %dma_wait3A_97 = tpu.memref_slice %arg2[%dma_wait3A_96, %multiple_of3A_95] : memref<64x1000000xf32, #tpu.memory_space<hbm>> -> memref<64x512xf32, #tpu.memory_space<hbm>>
      %dma_wait3A_98 = arith.constant 0 : i32
      %dma_wait3A_99 = tpu.memref_slice %arg2[%dma_wait3A_98, %multiple_of3A_95] : memref<64x1000000xf32, #tpu.memory_space<hbm>> -> memref<64x512xf32, #tpu.memory_space<hbm>>
      tpu.wait_dma2 semaphore(%arg10 : memref<!tpu.dma_semaphore, #tpu.memory_space<semaphore_mem>>) src(%dma_wait3A_99 : memref<64x512xf32, #tpu.memory_space<hbm>>) dst(%arg5 : memref<64x512xf32, #tpu.memory_space<vmem>>)
      %add3A_100 = arith.constant 1 : i32
      %add3A_101 = arith.addi %mul3A_29, %add3A_100 : i32
      %parallel_loop3A_102 = arith.constant 0 : i32
      %parallel_loop3A_103 = arith.constant 2048 : i32
      %parallel_loop3A_104 = arith.constant 1 : i32
      scf.for %parallel_loop3A_115 = %parallel_loop3A_102 to %parallel_loop3A_103 step %parallel_loop3A_104  : i32 {
        %parallel_loop3A_116 = arith.constant 63 : i32
        %parallel_loop3A_117 = arith.andi %parallel_loop3A_115, %parallel_loop3A_116 : i32
        %parallel_loop3A_118 = arith.constant 6 : i32
        %parallel_loop3A_119 = arith.shrui %parallel_loop3A_115, %parallel_loop3A_118 : i32
        %parallel_loop3A_120 = arith.constant 16 : i32
        %parallel_loop3A_121 = arith.muli %parallel_loop3A_119, %parallel_loop3A_120 : i32
        %parallel_loop3A_122 = arith.index_cast %parallel_loop3A_117 : i32 to index
        %parallel_loop3A_123 = arith.index_cast %parallel_loop3A_121 : i32 to index
        %parallel_loop3A_124 = tpu.vector_load %arg5[%parallel_loop3A_122, %parallel_loop3A_123] {strides = array<i32>} : memref<64x512xf32, #tpu.memory_space<vmem>>, vector<16xf32>,
        %parallel_loop3A_125 = arith.constant 8.000000e+00 : f32
        %parallel_loop3A_126 = vector.broadcast %parallel_loop3A_125 : f32 to vector<16xf32>
        %parallel_loop3A_127 = arith.mulf %parallel_loop3A_124, %parallel_loop3A_126 : vector<16xf32>
        %parallel_loop3A_128 = arith.constant 10 : i32
        %parallel_loop3A_129 = arith.shli %parallel_loop3A_119, %parallel_loop3A_128 : i32
        %parallel_loop3A_130 = vector.broadcast %parallel_loop3A_129 : i32 to vector<16xi32>
        %parallel_loop3A_131 = arith.addi %shift_left3A_2, %parallel_loop3A_130 : vector<16xi32>
        %parallel_loop3A_132 = vector.broadcast %parallel_loop3A_117 : i32 to vector<16xi32>
        %parallel_loop3A_133 = arith.addi %parallel_loop3A_131, %parallel_loop3A_132 : vector<16xi32>
        tpu.vector_store_idx %arg6[%parallel_loop3A_133], %parallel_loop3A_127 : memref<32768xf32, #tpu.memory_space<vmem>>[vector<16xi32>], vector<16xf32>,
      } {sc.loop_unroll_factor = 8 : i64, sc.parallel_access}
      %mul3A_105 = arith.constant 32 : i32
      %mul3A_106 = arith.muli %mul3A_105, %add3A_101 : i32
      %add3A_107 = arith.addi %add3A, %mul3A_106 : i32
      %min3A_108 = arith.constant 1952 : i32
      %min3A_109 = arith.minsi %add3A_107, %min3A_108 : i32
      %mul3A_110 = arith.constant 512 : i32
      %mul3A_111 = arith.muli %min3A_109, %mul3A_110 : i32
      %multiple_of3A_112 = tpu.assume_multiple %mul3A_111, 512 : i32
      %mul3A_113 = arith.constant 64 : i32
      %mul3A_114 = arith.muli %multiple_of3A_112, %mul3A_113 : i32
      "tpu.region"() ({
        %run_scoped3A = tpu.sem_alloc : memref<!tpu.dma_semaphore, #tpu.memory_space<semaphore_mem>>
        %dma_start3A_115 = tpu.memref_slice %arg3[%mul3A_114] : memref<64000000xf32, #tpu.memory_space<hbm>> -> memref<32768xf32, #tpu.memory_space<hbm>>
        %dma_start3A_116 = tpu.memref_slice %arg3[%mul3A_114] : memref<64000000xf32, #tpu.memory_space<hbm>> -> memref<32768xf32, #tpu.memory_space<hbm>>
        tpu.enqueue_dma source(%arg6 : memref<32768xf32, #tpu.memory_space<vmem>>) target(%dma_start3A_116 : memref<32768xf32, #tpu.memory_space<hbm>>) target_semaphore(%run_scoped3A : memref<!tpu.dma_semaphore, #tpu.memory_space<semaphore_mem>>)
        %dma_wait3A_117 = tpu.memref_slice %arg3[%mul3A_114] : memref<64000000xf32, #tpu.memory_space<hbm>> -> memref<32768xf32, #tpu.memory_space<hbm>>
        %dma_wait3A_118 = tpu.memref_slice %arg3[%mul3A_114] : memref<64000000xf32, #tpu.memory_space<hbm>> -> memref<32768xf32, #tpu.memory_space<hbm>>
        tpu.wait_dma2 semaphore(%run_scoped3A : memref<!tpu.dma_semaphore, #tpu.memory_space<semaphore_mem>>) src(%arg6 : memref<32768xf32, #tpu.memory_space<vmem>>) dst(%dma_wait3A_118 : memref<32768xf32, #tpu.memory_space<hbm>>)
        tpu.yield
      }) : () -> ()
    }
    %scan3A_14 = arith.constant 31 : i32
    %add3A_15 = arith.constant 0 : i32
    %add3A_16 = arith.addi %add3A, %add3A_15 : i32
    %min3A_17 = arith.constant 1952 : i32
    %min3A_18 = arith.minsi %add3A_16, %min3A_17 : i32
    %mul3A_19 = arith.constant 512 : i32
    %mul3A_20 = arith.muli %min3A_18, %mul3A_19 : i32
    %multiple_of3A_21 = tpu.assume_multiple %mul3A_20, 512 : i32
    %dma_wait3A = arith.constant 0 : i32
    %dma_wait3A_22 = tpu.memref_slice %arg2[%dma_wait3A, %multiple_of3A_21] : memref<64x1000000xf32, #tpu.memory_space<hbm>> -> memref<64x512xf32, #tpu.memory_space<hbm>>
    %dma_wait3A_23 = arith.constant 0 : i32
    %dma_wait3A_24 = tpu.memref_slice %arg2[%dma_wait3A_23, %multiple_of3A_21] : memref<64x1000000xf32, #tpu.memory_space<hbm>> -> memref<64x512xf32, #tpu.memory_space<hbm>>
    tpu.wait_dma2 semaphore(%arg9 : memref<!tpu.dma_semaphore, #tpu.memory_space<semaphore_mem>>) src(%dma_wait3A_24 : memref<64x512xf32, #tpu.memory_space<hbm>>) dst(%arg4 : memref<64x512xf32, #tpu.memory_space<vmem>>)
    "tpu.region"() ({
      %run_scoped3A = tpu.sem_alloc : memref<!tpu.dma_semaphore, #tpu.memory_space<semaphore_mem>>
      %dma_start3A_27 = arith.constant 0 : i32
      %dma_start3A_28 = arith.constant 999936 : i32
      %dma_start3A_29 = tpu.memref_slice %arg2[%dma_start3A_27, %dma_start3A_28] : memref<64x1000000xf32, #tpu.memory_space<hbm>> -> memref<64x64xf32, #tpu.memory_space<hbm>>
      %dma_start3A_30 = arith.constant 0 : i32
      %dma_start3A_31 = arith.constant 999936 : i32
      %dma_start3A_32 = tpu.memref_slice %arg2[%dma_start3A_30, %dma_start3A_31] : memref<64x1000000xf32, #tpu.memory_space<hbm>> -> memref<64x64xf32, #tpu.memory_space<hbm>>
      tpu.enqueue_dma source(%dma_start3A_32 : memref<64x64xf32, #tpu.memory_space<hbm>>) target(%arg7 : memref<64x64xf32, #tpu.memory_space<vmem>>) target_semaphore(%run_scoped3A : memref<!tpu.dma_semaphore, #tpu.memory_space<semaphore_mem>>)
      %dma_wait3A_33 = arith.constant 0 : i32
      %dma_wait3A_34 = arith.constant 999936 : i32
      %dma_wait3A_35 = tpu.memref_slice %arg2[%dma_wait3A_33, %dma_wait3A_34] : memref<64x1000000xf32, #tpu.memory_space<hbm>> -> memref<64x64xf32, #tpu.memory_space<hbm>>
      %dma_wait3A_36 = arith.constant 0 : i32
      %dma_wait3A_37 = arith.constant 999936 : i32
      %dma_wait3A_38 = tpu.memref_slice %arg2[%dma_wait3A_36, %dma_wait3A_37] : memref<64x1000000xf32, #tpu.memory_space<hbm>> -> memref<64x64xf32, #tpu.memory_space<hbm>>
      tpu.wait_dma2 semaphore(%run_scoped3A : memref<!tpu.dma_semaphore, #tpu.memory_space<semaphore_mem>>) src(%dma_wait3A_38 : memref<64x64xf32, #tpu.memory_space<hbm>>) dst(%arg7 : memref<64x64xf32, #tpu.memory_space<vmem>>)
      tpu.yield
    }) : () -> ()
    %parallel_loop3A = arith.constant 0 : i32
    %parallel_loop3A_25 = arith.constant 256 : i32
    %parallel_loop3A_26 = arith.constant 1 : i32
    scf.for %parallel_loop3A_27 = %parallel_loop3A to %parallel_loop3A_25 step %parallel_loop3A_26  : i32 {
      %parallel_loop3A_28 = arith.constant 63 : i32
      %parallel_loop3A_29 = arith.andi %parallel_loop3A_27, %parallel_loop3A_28 : i32
      %parallel_loop3A_30 = arith.constant 6 : i32
      %parallel_loop3A_31 = arith.shrui %parallel_loop3A_27, %parallel_loop3A_30 : i32
      %parallel_loop3A_32 = arith.constant 16 : i32
      %parallel_loop3A_33 = arith.muli %parallel_loop3A_31, %parallel_loop3A_32 : i32
      %parallel_loop3A_34 = arith.index_cast %parallel_loop3A_29 : i32 to index
      %parallel_loop3A_35 = arith.index_cast %parallel_loop3A_33 : i32 to index
      %parallel_loop3A_36 = tpu.vector_load %arg7[%parallel_loop3A_34, %parallel_loop3A_35] {strides = array<i32>} : memref<64x64xf32, #tpu.memory_space<vmem>>, vector<16xf32>,
      %parallel_loop3A_37 = arith.constant 8.000000e+00 : f32
      %parallel_loop3A_38 = vector.broadcast %parallel_loop3A_37 : f32 to vector<16xf32>
      %parallel_loop3A_39 = arith.mulf %parallel_loop3A_36, %parallel_loop3A_38 : vector<16xf32>
      %parallel_loop3A_40 = arith.constant 10 : i32
      %parallel_loop3A_41 = arith.shli %parallel_loop3A_31, %parallel_loop3A_40 : i32
      %parallel_loop3A_42 = vector.broadcast %parallel_loop3A_41 : i32 to vector<16xi32>
      %parallel_loop3A_43 = arith.addi %shift_left3A_2, %parallel_loop3A_42 : vector<16xi32>
      %parallel_loop3A_44 = vector.broadcast %parallel_loop3A_29 : i32 to vector<16xi32>
      %parallel_loop3A_45 = arith.addi %parallel_loop3A_43, %parallel_loop3A_44 : vector<16xi32>
      tpu.vector_store_idx %arg8[%parallel_loop3A_45], %parallel_loop3A_39 : memref<4096xf32, #tpu.memory_space<vmem>>[vector<16xi32>], vector<16xf32>,
    } {sc.loop_unroll_factor = 8 : i64, sc.parallel_access}
    "tpu.region"() ({
      %run_scoped3A = tpu.sem_alloc : memref<!tpu.dma_semaphore, #tpu.memory_space<semaphore_mem>>
      %dma_start3A_27 = arith.constant 63995904 : i32
      %dma_start3A_28 = tpu.memref_slice %arg3[%dma_start3A_27] : memref<64000000xf32, #tpu.memory_space<hbm>> -> memref<4096xf32, #tpu.memory_space<hbm>>
      %dma_start3A_29 = arith.constant 63995904 : i32
      %dma_start3A_30 = tpu.memref_slice %arg3[%dma_start3A_29] : memref<64000000xf32, #tpu.memory_space<hbm>> -> memref<4096xf32, #tpu.memory_space<hbm>>
      tpu.enqueue_dma source(%arg8 : memref<4096xf32, #tpu.memory_space<vmem>>) target(%dma_start3A_30 : memref<4096xf32, #tpu.memory_space<hbm>>) target_semaphore(%run_scoped3A : memref<!tpu.dma_semaphore, #tpu.memory_space<semaphore_mem>>)
      %dma_wait3A_31 = arith.constant 63995904 : i32
      %dma_wait3A_32 = tpu.memref_slice %arg3[%dma_wait3A_31] : memref<64000000xf32, #tpu.memory_space<hbm>> -> memref<4096xf32, #tpu.memory_space<hbm>>
      %dma_wait3A_33 = arith.constant 63995904 : i32
      %dma_wait3A_34 = tpu.memref_slice %arg3[%dma_wait3A_33] : memref<64000000xf32, #tpu.memory_space<hbm>> -> memref<4096xf32, #tpu.memory_space<hbm>>
      tpu.wait_dma2 semaphore(%run_scoped3A : memref<!tpu.dma_semaphore, #tpu.memory_space<semaphore_mem>>) src(%arg8 : memref<4096xf32, #tpu.memory_space<vmem>>) dst(%dma_wait3A_34 : memref<4096xf32, #tpu.memory_space<hbm>>)
      tpu.yield
    }) : () -> ()
    return
  }
}

#map = affine_map<(d0, d1) -> (0, 0)>
#map1 = affine_map<(d0, d1) -> (0, 0, 0, 0)>
module attributes {stable_mosaic.version = 14 : i64} {
  func.func @_gather_body(%arg0: i32, %arg1: i32, %arg2: memref<200x4096xi32, #tpu.memory_space<hbm>>, %arg3: memref<1000000x64xf32, #tpu.memory_space<hbm>>, %arg4: memref<200x8x32x1024xf32, #tpu.memory_space<hbm>>, %arg5: memref<200x128xi32, #tpu.memory_space<vmem>>, %arg6: memref<128x64xf32, #tpu.memory_space<vmem>>, %arg7: memref<128x64xf32, #tpu.memory_space<vmem>>, %arg8: memref<8x1024xf32, #tpu.memory_space<vmem>>, %arg9: memref<!tpu.dma_semaphore, #tpu.memory_space<semaphore_mem>>, %arg10: memref<!tpu.dma_semaphore, #tpu.memory_space<semaphore_mem>>) attributes {dimension_semantics = [#tpu.dimension_semantics<core_parallel>, #tpu.dimension_semantics<subcore_parallel>], iteration_bounds = array<i64: 2, 16>, scalar_prefetch = 0 : i64, scratch_operands = 6 : i64, tpu.core_type = #tpu.core_type<sc_vector_subcore>, window_params = [{transform_indices = #map}, {transform_indices = #map}, {transform_indices = #map1}]} {
    %mul3A = arith.constant 2 : i32
    %mul3A_0 = arith.muli %arg1, %mul3A : i32
    %add3A = arith.addi %mul3A_0, %arg0 : i32
    %mul3A_1 = arith.constant 128 : i32
    %mul3A_2 = arith.muli %add3A, %mul3A_1 : i32
    "tpu.region"() ({
      %run_scoped3A = tpu.sem_alloc : memref<!tpu.dma_semaphore, #tpu.memory_space<semaphore_mem>>
      %dma_start3A_25 = arith.constant 0 : i32
      %dma_start3A_26 = tpu.memref_slice %arg2[%dma_start3A_25, %mul3A_2] : memref<200x4096xi32, #tpu.memory_space<hbm>> -> memref<200x128xi32, #tpu.memory_space<hbm>>
      %dma_start3A_27 = arith.constant 0 : i32
      %dma_start3A_28 = tpu.memref_slice %arg2[%dma_start3A_27, %mul3A_2] : memref<200x4096xi32, #tpu.memory_space<hbm>> -> memref<200x128xi32, #tpu.memory_space<hbm>>
      tpu.enqueue_dma source(%dma_start3A_28 : memref<200x128xi32, #tpu.memory_space<hbm>>) target(%arg5 : memref<200x128xi32, #tpu.memory_space<vmem>>) target_semaphore(%run_scoped3A : memref<!tpu.dma_semaphore, #tpu.memory_space<semaphore_mem>>)
      %dma_wait3A_29 = arith.constant 0 : i32
      %dma_wait3A_30 = tpu.memref_slice %arg2[%dma_wait3A_29, %mul3A_2] : memref<200x4096xi32, #tpu.memory_space<hbm>> -> memref<200x128xi32, #tpu.memory_space<hbm>>
      %dma_wait3A_31 = arith.constant 0 : i32
      %dma_wait3A_32 = tpu.memref_slice %arg2[%dma_wait3A_31, %mul3A_2] : memref<200x4096xi32, #tpu.memory_space<hbm>> -> memref<200x128xi32, #tpu.memory_space<hbm>>
      tpu.wait_dma2 semaphore(%run_scoped3A : memref<!tpu.dma_semaphore, #tpu.memory_space<semaphore_mem>>) src(%dma_wait3A_32 : memref<200x128xi32, #tpu.memory_space<hbm>>) dst(%arg5 : memref<200x128xi32, #tpu.memory_space<vmem>>)
      tpu.yield
    }) : () -> ()
    %iota3A = tpu.iota {dimensions = array<i32: 0>} : vector<16xi32>
    %shift_right_logical3A = arith.constant 3 : i32
    %shift_right_logical3A_3 = vector.broadcast %shift_right_logical3A : i32 to vector<16xi32>
    %shift_right_logical3A_4 = arith.shrui %iota3A, %shift_right_logical3A_3 : vector<16xi32>
    %and3A = arith.constant 7 : i32
    %and3A_5 = vector.broadcast %and3A : i32 to vector<16xi32>
    %and3A_6 = arith.andi %iota3A, %and3A_5 : vector<16xi32>
    %shift_left3A = arith.constant 7 : i32
    %shift_left3A_7 = vector.broadcast %shift_left3A : i32 to vector<16xi32>
    %shift_left3A_8 = arith.shli %and3A_6, %shift_left3A_7 : vector<16xi32>
    %dma_start3A = arith.constant 0 : i32
    %dma_start3A_9 = arith.constant 0 : i32
    %dma_start3A_10 = tpu.memref_slice %arg5[%dma_start3A, %dma_start3A_9] : memref<200x128xi32, #tpu.memory_space<vmem>> -> memref<1x128xi32, #tpu.memory_space<vmem>>
    %dma_start3A_11 = tpu.memref_squeeze %dma_start3A_10 : memref<1x128xi32, #tpu.memory_space<vmem>> -> memref<128xi32, #tpu.memory_space<vmem>>
    %dma_start3A_12 = arith.constant 0 : i32
    %dma_start3A_13 = arith.constant 0 : i32
    %dma_start3A_14 = tpu.memref_slice %arg3[%dma_start3A_12, %dma_start3A_13] : memref<1000000x64xf32, #tpu.memory_space<hbm>> -> memref<1000000x64xf32, #tpu.memory_space<hbm>>
    tpu.enqueue_indirect_dma source(%dma_start3A_14 : memref<1000000x64xf32, #tpu.memory_space<hbm>>) target(%arg6 : memref<128x64xf32, #tpu.memory_space<vmem>>) offsets(%dma_start3A_11 : memref<128xi32, #tpu.memory_space<vmem>>) semaphore(%arg9 : memref<!tpu.dma_semaphore, #tpu.memory_space<semaphore_mem>>)
    %scan3A = arith.constant 0 : i32
    %scan3A_15 = arith.constant 100 : i32
    %scan3A_16 = arith.addi %scan3A, %scan3A_15 : i32
    %scan3A_17 = arith.constant 1 : i32
    scf.for %scan3A_25 = %scan3A to %scan3A_16 step %scan3A_17  : i32 {
      %mul3A_26 = arith.constant 2 : i32
      %mul3A_27 = arith.muli %mul3A_26, %scan3A_25 : i32
      %add3A_28 = arith.constant 1 : i32
      %add3A_29 = arith.addi %mul3A_27, %add3A_28 : i32
      %dma_start3A_30 = arith.constant 0 : i32
      %dma_start3A_31 = tpu.memref_slice %arg5[%add3A_29, %dma_start3A_30] : memref<200x128xi32, #tpu.memory_space<vmem>> -> memref<1x128xi32, #tpu.memory_space<vmem>>
      %dma_start3A_32 = tpu.memref_squeeze %dma_start3A_31 : memref<1x128xi32, #tpu.memory_space<vmem>> -> memref<128xi32, #tpu.memory_space<vmem>>
      %dma_start3A_33 = arith.constant 0 : i32
      %dma_start3A_34 = arith.constant 0 : i32
      %dma_start3A_35 = tpu.memref_slice %arg3[%dma_start3A_33, %dma_start3A_34] : memref<1000000x64xf32, #tpu.memory_space<hbm>> -> memref<1000000x64xf32, #tpu.memory_space<hbm>>
      tpu.enqueue_indirect_dma source(%dma_start3A_35 : memref<1000000x64xf32, #tpu.memory_space<hbm>>) target(%arg7 : memref<128x64xf32, #tpu.memory_space<vmem>>) offsets(%dma_start3A_32 : memref<128xi32, #tpu.memory_space<vmem>>) semaphore(%arg10 : memref<!tpu.dma_semaphore, #tpu.memory_space<semaphore_mem>>)
      %dma_wait3A_36 = arith.constant 0 : i32
      %dma_wait3A_37 = tpu.memref_slice %arg5[%mul3A_27, %dma_wait3A_36] : memref<200x128xi32, #tpu.memory_space<vmem>> -> memref<1x128xi32, #tpu.memory_space<vmem>>
      %dma_wait3A_38 = tpu.memref_squeeze %dma_wait3A_37 : memref<1x128xi32, #tpu.memory_space<vmem>> -> memref<128xi32, #tpu.memory_space<vmem>>
      %dma_wait3A_39 = arith.constant 0 : i32
      %dma_wait3A_40 = arith.constant 0 : i32
      %dma_wait3A_41 = tpu.memref_slice %arg3[%dma_wait3A_39, %dma_wait3A_40] : memref<1000000x64xf32, #tpu.memory_space<hbm>> -> memref<1000000x64xf32, #tpu.memory_space<hbm>>
      tpu.wait_indirect_dma semaphore(%arg9 : memref<!tpu.dma_semaphore, #tpu.memory_space<semaphore_mem>>) src(%dma_wait3A_41 : memref<1000000x64xf32, #tpu.memory_space<hbm>>) dst(%arg6 : memref<128x64xf32, #tpu.memory_space<vmem>>)
      %parallel_loop3A = arith.constant 0 : i32
      %parallel_loop3A_42 = arith.constant 512 : i32
      %parallel_loop3A_43 = arith.constant 1 : i32
      scf.for %parallel_loop3A_99 = %parallel_loop3A to %parallel_loop3A_42 step %parallel_loop3A_43  : i32 {
        %parallel_loop3A_100 = arith.constant 2 : i32
        %parallel_loop3A_101 = arith.shrui %parallel_loop3A_99, %parallel_loop3A_100 : i32
        %parallel_loop3A_102 = arith.constant 3 : i32
        %parallel_loop3A_103 = arith.andi %parallel_loop3A_99, %parallel_loop3A_102 : i32
        %parallel_loop3A_104 = arith.constant 16 : i32
        %parallel_loop3A_105 = arith.muli %parallel_loop3A_103, %parallel_loop3A_104 : i32
        %parallel_loop3A_106 = arith.index_cast %parallel_loop3A_101 : i32 to index
        %parallel_loop3A_107 = arith.index_cast %parallel_loop3A_105 : i32 to index
        %parallel_loop3A_108 = tpu.vector_load %arg6[%parallel_loop3A_106, %parallel_loop3A_107] {strides = array<i32>} : memref<128x64xf32, #tpu.memory_space<vmem>>, vector<16xf32>,
        %parallel_loop3A_109 = arith.constant 1 : i32
        %parallel_loop3A_110 = arith.shli %parallel_loop3A_103, %parallel_loop3A_109 : i32
        %parallel_loop3A_111 = vector.broadcast %parallel_loop3A_110 : i32 to vector<16xi32>
        %parallel_loop3A_112 = arith.addi %parallel_loop3A_111, %shift_right_logical3A_4 : vector<16xi32>
        %parallel_loop3A_113 = vector.broadcast %parallel_loop3A_101 : i32 to vector<16xi32>
        %parallel_loop3A_114 = arith.addi %shift_left3A_8, %parallel_loop3A_113 : vector<16xi32>
        tpu.vector_store_idx %arg8[%parallel_loop3A_112, %parallel_loop3A_114], %parallel_loop3A_108 : memref<8x1024xf32, #tpu.memory_space<vmem>>[vector<16xi32>, vector<16xi32>], vector<16xf32>,
      } {sc.loop_unroll_factor = 8 : i64, sc.parallel_access}
      %run_scoped3A = arith.constant 0 : i32
      %run_scoped3A_44 = arith.constant 0 : i32
      "tpu.region"() ({
        %run_scoped3A_99 = tpu.sem_alloc : memref<!tpu.dma_semaphore, #tpu.memory_space<semaphore_mem>>
        %dma_start3A_100 = arith.constant 0 : i32
        %dma_start3A_101 = tpu.memref_slice %arg8[%run_scoped3A, %dma_start3A_100] : memref<8x1024xf32, #tpu.memory_space<vmem>> -> memref<1x1024xf32, #tpu.memory_space<vmem>>
        %dma_start3A_102 = tpu.memref_squeeze %dma_start3A_101 : memref<1x1024xf32, #tpu.memory_space<vmem>> -> memref<1024xf32, #tpu.memory_space<vmem>>
        %dma_start3A_103 = arith.constant 0 : i32
        %dma_start3A_104 = tpu.memref_slice %arg4[%mul3A_27, %run_scoped3A_44, %add3A, %dma_start3A_103] : memref<200x8x32x1024xf32, #tpu.memory_space<hbm>> -> memref<1x1x1x1024xf32, #tpu.memory_space<hbm>>
        %dma_start3A_105 = tpu.memref_squeeze %dma_start3A_104 : memref<1x1x1x1024xf32, #tpu.memory_space<hbm>> -> memref<1024xf32, #tpu.memory_space<hbm>>
        %dma_start3A_106 = arith.constant 0 : i32
        %dma_start3A_107 = tpu.memref_slice %arg4[%mul3A_27, %run_scoped3A_44, %add3A, %dma_start3A_106] : memref<200x8x32x1024xf32, #tpu.memory_space<hbm>> -> memref<1x1x1x1024xf32, #tpu.memory_space<hbm>>
        %dma_start3A_108 = tpu.memref_squeeze %dma_start3A_107 : memref<1x1x1x1024xf32, #tpu.memory_space<hbm>> -> memref<1024xf32, #tpu.memory_space<hbm>>
        %dma_start3A_109 = arith.constant 0 : i32
        %dma_start3A_110 = tpu.memref_slice %arg8[%run_scoped3A, %dma_start3A_109] : memref<8x1024xf32, #tpu.memory_space<vmem>> -> memref<1x1024xf32, #tpu.memory_space<vmem>>
        %dma_start3A_111 = tpu.memref_squeeze %dma_start3A_110 : memref<1x1024xf32, #tpu.memory_space<vmem>> -> memref<1024xf32, #tpu.memory_space<vmem>>
        tpu.enqueue_dma source(%dma_start3A_111 : memref<1024xf32, #tpu.memory_space<vmem>>) target(%dma_start3A_108 : memref<1024xf32, #tpu.memory_space<hbm>>) target_semaphore(%run_scoped3A_99 : memref<!tpu.dma_semaphore, #tpu.memory_space<semaphore_mem>>)
        %dma_wait3A_112 = arith.constant 0 : i32
        %dma_wait3A_113 = tpu.memref_slice %arg8[%run_scoped3A, %dma_wait3A_112] : memref<8x1024xf32, #tpu.memory_space<vmem>> -> memref<1x1024xf32, #tpu.memory_space<vmem>>
        %dma_wait3A_114 = tpu.memref_squeeze %dma_wait3A_113 : memref<1x1024xf32, #tpu.memory_space<vmem>> -> memref<1024xf32, #tpu.memory_space<vmem>>
        %dma_wait3A_115 = arith.constant 0 : i32
        %dma_wait3A_116 = tpu.memref_slice %arg4[%mul3A_27, %run_scoped3A_44, %add3A, %dma_wait3A_115] : memref<200x8x32x1024xf32, #tpu.memory_space<hbm>> -> memref<1x1x1x1024xf32, #tpu.memory_space<hbm>>
        %dma_wait3A_117 = tpu.memref_squeeze %dma_wait3A_116 : memref<1x1x1x1024xf32, #tpu.memory_space<hbm>> -> memref<1024xf32, #tpu.memory_space<hbm>>
        %dma_wait3A_118 = arith.constant 0 : i32
        %dma_wait3A_119 = tpu.memref_slice %arg4[%mul3A_27, %run_scoped3A_44, %add3A, %dma_wait3A_118] : memref<200x8x32x1024xf32, #tpu.memory_space<hbm>> -> memref<1x1x1x1024xf32, #tpu.memory_space<hbm>>
        %dma_wait3A_120 = tpu.memref_squeeze %dma_wait3A_119 : memref<1x1x1x1024xf32, #tpu.memory_space<hbm>> -> memref<1024xf32, #tpu.memory_space<hbm>>
        %dma_wait3A_121 = arith.constant 0 : i32
        %dma_wait3A_122 = tpu.memref_slice %arg8[%run_scoped3A, %dma_wait3A_121] : memref<8x1024xf32, #tpu.memory_space<vmem>> -> memref<1x1024xf32, #tpu.memory_space<vmem>>
        %dma_wait3A_123 = tpu.memref_squeeze %dma_wait3A_122 : memref<1x1024xf32, #tpu.memory_space<vmem>> -> memref<1024xf32, #tpu.memory_space<vmem>>
        tpu.wait_dma2 semaphore(%run_scoped3A_99 : memref<!tpu.dma_semaphore, #tpu.memory_space<semaphore_mem>>) src(%dma_wait3A_123 : memref<1024xf32, #tpu.memory_space<vmem>>) dst(%dma_wait3A_120 : memref<1024xf32, #tpu.memory_space<hbm>>)
        tpu.yield
      }) : () -> ()
      %run_scoped3A_45 = arith.constant 1 : i32
      %run_scoped3A_46 = arith.constant 1 : i32
      "tpu.region"() ({
        %run_scoped3A_99 = tpu.sem_alloc : memref<!tpu.dma_semaphore, #tpu.memory_space<semaphore_mem>>
        %dma_start3A_100 = arith.constant 0 : i32
        %dma_start3A_101 = tpu.memref_slice %arg8[%run_scoped3A_45, %dma_start3A_100] : memref<8x1024xf32, #tpu.memory_space<vmem>> -> memref<1x1024xf32, #tpu.memory_space<vmem>>
        %dma_start3A_102 = tpu.memref_squeeze %dma_start3A_101 : memref<1x1024xf32, #tpu.memory_space<vmem>> -> memref<1024xf32, #tpu.memory_space<vmem>>
        %dma_start3A_103 = arith.constant 0 : i32
        %dma_start3A_104 = tpu.memref_slice %arg4[%mul3A_27, %run_scoped3A_46, %add3A, %dma_start3A_103] : memref<200x8x32x1024xf32, #tpu.memory_space<hbm>> -> memref<1x1x1x1024xf32, #tpu.memory_space<hbm>>
        %dma_start3A_105 = tpu.memref_squeeze %dma_start3A_104 : memref<1x1x1x1024xf32, #tpu.memory_space<hbm>> -> memref<1024xf32, #tpu.memory_space<hbm>>
        %dma_start3A_106 = arith.constant 0 : i32
        %dma_start3A_107 = tpu.memref_slice %arg4[%mul3A_27, %run_scoped3A_46, %add3A, %dma_start3A_106] : memref<200x8x32x1024xf32, #tpu.memory_space<hbm>> -> memref<1x1x1x1024xf32, #tpu.memory_space<hbm>>
        %dma_start3A_108 = tpu.memref_squeeze %dma_start3A_107 : memref<1x1x1x1024xf32, #tpu.memory_space<hbm>> -> memref<1024xf32, #tpu.memory_space<hbm>>
        %dma_start3A_109 = arith.constant 0 : i32
        %dma_start3A_110 = tpu.memref_slice %arg8[%run_scoped3A_45, %dma_start3A_109] : memref<8x1024xf32, #tpu.memory_space<vmem>> -> memref<1x1024xf32, #tpu.memory_space<vmem>>
        %dma_start3A_111 = tpu.memref_squeeze %dma_start3A_110 : memref<1x1024xf32, #tpu.memory_space<vmem>> -> memref<1024xf32, #tpu.memory_space<vmem>>
        tpu.enqueue_dma source(%dma_start3A_111 : memref<1024xf32, #tpu.memory_space<vmem>>) target(%dma_start3A_108 : memref<1024xf32, #tpu.memory_space<hbm>>) target_semaphore(%run_scoped3A_99 : memref<!tpu.dma_semaphore, #tpu.memory_space<semaphore_mem>>)
        %dma_wait3A_112 = arith.constant 0 : i32
        %dma_wait3A_113 = tpu.memref_slice %arg8[%run_scoped3A_45, %dma_wait3A_112] : memref<8x1024xf32, #tpu.memory_space<vmem>> -> memref<1x1024xf32, #tpu.memory_space<vmem>>
        %dma_wait3A_114 = tpu.memref_squeeze %dma_wait3A_113 : memref<1x1024xf32, #tpu.memory_space<vmem>> -> memref<1024xf32, #tpu.memory_space<vmem>>
        %dma_wait3A_115 = arith.constant 0 : i32
        %dma_wait3A_116 = tpu.memref_slice %arg4[%mul3A_27, %run_scoped3A_46, %add3A, %dma_wait3A_115] : memref<200x8x32x1024xf32, #tpu.memory_space<hbm>> -> memref<1x1x1x1024xf32, #tpu.memory_space<hbm>>
        %dma_wait3A_117 = tpu.memref_squeeze %dma_wait3A_116 : memref<1x1x1x1024xf32, #tpu.memory_space<hbm>> -> memref<1024xf32, #tpu.memory_space<hbm>>
        %dma_wait3A_118 = arith.constant 0 : i32
        %dma_wait3A_119 = tpu.memref_slice %arg4[%mul3A_27, %run_scoped3A_46, %add3A, %dma_wait3A_118] : memref<200x8x32x1024xf32, #tpu.memory_space<hbm>> -> memref<1x1x1x1024xf32, #tpu.memory_space<hbm>>
        %dma_wait3A_120 = tpu.memref_squeeze %dma_wait3A_119 : memref<1x1x1x1024xf32, #tpu.memory_space<hbm>> -> memref<1024xf32, #tpu.memory_space<hbm>>
        %dma_wait3A_121 = arith.constant 0 : i32
        %dma_wait3A_122 = tpu.memref_slice %arg8[%run_scoped3A_45, %dma_wait3A_121] : memref<8x1024xf32, #tpu.memory_space<vmem>> -> memref<1x1024xf32, #tpu.memory_space<vmem>>
        %dma_wait3A_123 = tpu.memref_squeeze %dma_wait3A_122 : memref<1x1024xf32, #tpu.memory_space<vmem>> -> memref<1024xf32, #tpu.memory_space<vmem>>
        tpu.wait_dma2 semaphore(%run_scoped3A_99 : memref<!tpu.dma_semaphore, #tpu.memory_space<semaphore_mem>>) src(%dma_wait3A_123 : memref<1024xf32, #tpu.memory_space<vmem>>) dst(%dma_wait3A_120 : memref<1024xf32, #tpu.memory_space<hbm>>)
        tpu.yield
      }) : () -> ()
      %run_scoped3A_47 = arith.constant 2 : i32
      %run_scoped3A_48 = arith.constant 2 : i32
      "tpu.region"() ({
        %run_scoped3A_99 = tpu.sem_alloc : memref<!tpu.dma_semaphore, #tpu.memory_space<semaphore_mem>>
        %dma_start3A_100 = arith.constant 0 : i32
        %dma_start3A_101 = tpu.memref_slice %arg8[%run_scoped3A_47, %dma_start3A_100] : memref<8x1024xf32, #tpu.memory_space<vmem>> -> memref<1x1024xf32, #tpu.memory_space<vmem>>
        %dma_start3A_102 = tpu.memref_squeeze %dma_start3A_101 : memref<1x1024xf32, #tpu.memory_space<vmem>> -> memref<1024xf32, #tpu.memory_space<vmem>>
        %dma_start3A_103 = arith.constant 0 : i32
        %dma_start3A_104 = tpu.memref_slice %arg4[%mul3A_27, %run_scoped3A_48, %add3A, %dma_start3A_103] : memref<200x8x32x1024xf32, #tpu.memory_space<hbm>> -> memref<1x1x1x1024xf32, #tpu.memory_space<hbm>>
        %dma_start3A_105 = tpu.memref_squeeze %dma_start3A_104 : memref<1x1x1x1024xf32, #tpu.memory_space<hbm>> -> memref<1024xf32, #tpu.memory_space<hbm>>
        %dma_start3A_106 = arith.constant 0 : i32
        %dma_start3A_107 = tpu.memref_slice %arg4[%mul3A_27, %run_scoped3A_48, %add3A, %dma_start3A_106] : memref<200x8x32x1024xf32, #tpu.memory_space<hbm>> -> memref<1x1x1x1024xf32, #tpu.memory_space<hbm>>
        %dma_start3A_108 = tpu.memref_squeeze %dma_start3A_107 : memref<1x1x1x1024xf32, #tpu.memory_space<hbm>> -> memref<1024xf32, #tpu.memory_space<hbm>>
        %dma_start3A_109 = arith.constant 0 : i32
        %dma_start3A_110 = tpu.memref_slice %arg8[%run_scoped3A_47, %dma_start3A_109] : memref<8x1024xf32, #tpu.memory_space<vmem>> -> memref<1x1024xf32, #tpu.memory_space<vmem>>
        %dma_start3A_111 = tpu.memref_squeeze %dma_start3A_110 : memref<1x1024xf32, #tpu.memory_space<vmem>> -> memref<1024xf32, #tpu.memory_space<vmem>>
        tpu.enqueue_dma source(%dma_start3A_111 : memref<1024xf32, #tpu.memory_space<vmem>>) target(%dma_start3A_108 : memref<1024xf32, #tpu.memory_space<hbm>>) target_semaphore(%run_scoped3A_99 : memref<!tpu.dma_semaphore, #tpu.memory_space<semaphore_mem>>)
        %dma_wait3A_112 = arith.constant 0 : i32
        %dma_wait3A_113 = tpu.memref_slice %arg8[%run_scoped3A_47, %dma_wait3A_112] : memref<8x1024xf32, #tpu.memory_space<vmem>> -> memref<1x1024xf32, #tpu.memory_space<vmem>>
        %dma_wait3A_114 = tpu.memref_squeeze %dma_wait3A_113 : memref<1x1024xf32, #tpu.memory_space<vmem>> -> memref<1024xf32, #tpu.memory_space<vmem>>
        %dma_wait3A_115 = arith.constant 0 : i32
        %dma_wait3A_116 = tpu.memref_slice %arg4[%mul3A_27, %run_scoped3A_48, %add3A, %dma_wait3A_115] : memref<200x8x32x1024xf32, #tpu.memory_space<hbm>> -> memref<1x1x1x1024xf32, #tpu.memory_space<hbm>>
        %dma_wait3A_117 = tpu.memref_squeeze %dma_wait3A_116 : memref<1x1x1x1024xf32, #tpu.memory_space<hbm>> -> memref<1024xf32, #tpu.memory_space<hbm>>
        %dma_wait3A_118 = arith.constant 0 : i32
        %dma_wait3A_119 = tpu.memref_slice %arg4[%mul3A_27, %run_scoped3A_48, %add3A, %dma_wait3A_118] : memref<200x8x32x1024xf32, #tpu.memory_space<hbm>> -> memref<1x1x1x1024xf32, #tpu.memory_space<hbm>>
        %dma_wait3A_120 = tpu.memref_squeeze %dma_wait3A_119 : memref<1x1x1x1024xf32, #tpu.memory_space<hbm>> -> memref<1024xf32, #tpu.memory_space<hbm>>
        %dma_wait3A_121 = arith.constant 0 : i32
        %dma_wait3A_122 = tpu.memref_slice %arg8[%run_scoped3A_47, %dma_wait3A_121] : memref<8x1024xf32, #tpu.memory_space<vmem>> -> memref<1x1024xf32, #tpu.memory_space<vmem>>
        %dma_wait3A_123 = tpu.memref_squeeze %dma_wait3A_122 : memref<1x1024xf32, #tpu.memory_space<vmem>> -> memref<1024xf32, #tpu.memory_space<vmem>>
        tpu.wait_dma2 semaphore(%run_scoped3A_99 : memref<!tpu.dma_semaphore, #tpu.memory_space<semaphore_mem>>) src(%dma_wait3A_123 : memref<1024xf32, #tpu.memory_space<vmem>>) dst(%dma_wait3A_120 : memref<1024xf32, #tpu.memory_space<hbm>>)
        tpu.yield
      }) : () -> ()
      %run_scoped3A_49 = arith.constant 3 : i32
      %run_scoped3A_50 = arith.constant 3 : i32
      "tpu.region"() ({
        %run_scoped3A_99 = tpu.sem_alloc : memref<!tpu.dma_semaphore, #tpu.memory_space<semaphore_mem>>
        %dma_start3A_100 = arith.constant 0 : i32
        %dma_start3A_101 = tpu.memref_slice %arg8[%run_scoped3A_49, %dma_start3A_100] : memref<8x1024xf32, #tpu.memory_space<vmem>> -> memref<1x1024xf32, #tpu.memory_space<vmem>>
        %dma_start3A_102 = tpu.memref_squeeze %dma_start3A_101 : memref<1x1024xf32, #tpu.memory_space<vmem>> -> memref<1024xf32, #tpu.memory_space<vmem>>
        %dma_start3A_103 = arith.constant 0 : i32
        %dma_start3A_104 = tpu.memref_slice %arg4[%mul3A_27, %run_scoped3A_50, %add3A, %dma_start3A_103] : memref<200x8x32x1024xf32, #tpu.memory_space<hbm>> -> memref<1x1x1x1024xf32, #tpu.memory_space<hbm>>
        %dma_start3A_105 = tpu.memref_squeeze %dma_start3A_104 : memref<1x1x1x1024xf32, #tpu.memory_space<hbm>> -> memref<1024xf32, #tpu.memory_space<hbm>>
        %dma_start3A_106 = arith.constant 0 : i32
        %dma_start3A_107 = tpu.memref_slice %arg4[%mul3A_27, %run_scoped3A_50, %add3A, %dma_start3A_106] : memref<200x8x32x1024xf32, #tpu.memory_space<hbm>> -> memref<1x1x1x1024xf32, #tpu.memory_space<hbm>>
        %dma_start3A_108 = tpu.memref_squeeze %dma_start3A_107 : memref<1x1x1x1024xf32, #tpu.memory_space<hbm>> -> memref<1024xf32, #tpu.memory_space<hbm>>
        %dma_start3A_109 = arith.constant 0 : i32
        %dma_start3A_110 = tpu.memref_slice %arg8[%run_scoped3A_49, %dma_start3A_109] : memref<8x1024xf32, #tpu.memory_space<vmem>> -> memref<1x1024xf32, #tpu.memory_space<vmem>>
        %dma_start3A_111 = tpu.memref_squeeze %dma_start3A_110 : memref<1x1024xf32, #tpu.memory_space<vmem>> -> memref<1024xf32, #tpu.memory_space<vmem>>
        tpu.enqueue_dma source(%dma_start3A_111 : memref<1024xf32, #tpu.memory_space<vmem>>) target(%dma_start3A_108 : memref<1024xf32, #tpu.memory_space<hbm>>) target_semaphore(%run_scoped3A_99 : memref<!tpu.dma_semaphore, #tpu.memory_space<semaphore_mem>>)
        %dma_wait3A_112 = arith.constant 0 : i32
        %dma_wait3A_113 = tpu.memref_slice %arg8[%run_scoped3A_49, %dma_wait3A_112] : memref<8x1024xf32, #tpu.memory_space<vmem>> -> memref<1x1024xf32, #tpu.memory_space<vmem>>
        %dma_wait3A_114 = tpu.memref_squeeze %dma_wait3A_113 : memref<1x1024xf32, #tpu.memory_space<vmem>> -> memref<1024xf32, #tpu.memory_space<vmem>>
        %dma_wait3A_115 = arith.constant 0 : i32
        %dma_wait3A_116 = tpu.memref_slice %arg4[%mul3A_27, %run_scoped3A_50, %add3A, %dma_wait3A_115] : memref<200x8x32x1024xf32, #tpu.memory_space<hbm>> -> memref<1x1x1x1024xf32, #tpu.memory_space<hbm>>
        %dma_wait3A_117 = tpu.memref_squeeze %dma_wait3A_116 : memref<1x1x1x1024xf32, #tpu.memory_space<hbm>> -> memref<1024xf32, #tpu.memory_space<hbm>>
        %dma_wait3A_118 = arith.constant 0 : i32
        %dma_wait3A_119 = tpu.memref_slice %arg4[%mul3A_27, %run_scoped3A_50, %add3A, %dma_wait3A_118] : memref<200x8x32x1024xf32, #tpu.memory_space<hbm>> -> memref<1x1x1x1024xf32, #tpu.memory_space<hbm>>
        %dma_wait3A_120 = tpu.memref_squeeze %dma_wait3A_119 : memref<1x1x1x1024xf32, #tpu.memory_space<hbm>> -> memref<1024xf32, #tpu.memory_space<hbm>>
        %dma_wait3A_121 = arith.constant 0 : i32
        %dma_wait3A_122 = tpu.memref_slice %arg8[%run_scoped3A_49, %dma_wait3A_121] : memref<8x1024xf32, #tpu.memory_space<vmem>> -> memref<1x1024xf32, #tpu.memory_space<vmem>>
        %dma_wait3A_123 = tpu.memref_squeeze %dma_wait3A_122 : memref<1x1024xf32, #tpu.memory_space<vmem>> -> memref<1024xf32, #tpu.memory_space<vmem>>
        tpu.wait_dma2 semaphore(%run_scoped3A_99 : memref<!tpu.dma_semaphore, #tpu.memory_space<semaphore_mem>>) src(%dma_wait3A_123 : memref<1024xf32, #tpu.memory_space<vmem>>) dst(%dma_wait3A_120 : memref<1024xf32, #tpu.memory_space<hbm>>)
        tpu.yield
      }) : () -> ()
      %run_scoped3A_51 = arith.constant 4 : i32
      %run_scoped3A_52 = arith.constant 4 : i32
      "tpu.region"() ({
        %run_scoped3A_99 = tpu.sem_alloc : memref<!tpu.dma_semaphore, #tpu.memory_space<semaphore_mem>>
        %dma_start3A_100 = arith.constant 0 : i32
        %dma_start3A_101 = tpu.memref_slice %arg8[%run_scoped3A_51, %dma_start3A_100] : memref<8x1024xf32, #tpu.memory_space<vmem>> -> memref<1x1024xf32, #tpu.memory_space<vmem>>
        %dma_start3A_102 = tpu.memref_squeeze %dma_start3A_101 : memref<1x1024xf32, #tpu.memory_space<vmem>> -> memref<1024xf32, #tpu.memory_space<vmem>>
        %dma_start3A_103 = arith.constant 0 : i32
        %dma_start3A_104 = tpu.memref_slice %arg4[%mul3A_27, %run_scoped3A_52, %add3A, %dma_start3A_103] : memref<200x8x32x1024xf32, #tpu.memory_space<hbm>> -> memref<1x1x1x1024xf32, #tpu.memory_space<hbm>>
        %dma_start3A_105 = tpu.memref_squeeze %dma_start3A_104 : memref<1x1x1x1024xf32, #tpu.memory_space<hbm>> -> memref<1024xf32, #tpu.memory_space<hbm>>
        %dma_start3A_106 = arith.constant 0 : i32
        %dma_start3A_107 = tpu.memref_slice %arg4[%mul3A_27, %run_scoped3A_52, %add3A, %dma_start3A_106] : memref<200x8x32x1024xf32, #tpu.memory_space<hbm>> -> memref<1x1x1x1024xf32, #tpu.memory_space<hbm>>
        %dma_start3A_108 = tpu.memref_squeeze %dma_start3A_107 : memref<1x1x1x1024xf32, #tpu.memory_space<hbm>> -> memref<1024xf32, #tpu.memory_space<hbm>>
        %dma_start3A_109 = arith.constant 0 : i32
        %dma_start3A_110 = tpu.memref_slice %arg8[%run_scoped3A_51, %dma_start3A_109] : memref<8x1024xf32, #tpu.memory_space<vmem>> -> memref<1x1024xf32, #tpu.memory_space<vmem>>
        %dma_start3A_111 = tpu.memref_squeeze %dma_start3A_110 : memref<1x1024xf32, #tpu.memory_space<vmem>> -> memref<1024xf32, #tpu.memory_space<vmem>>
        tpu.enqueue_dma source(%dma_start3A_111 : memref<1024xf32, #tpu.memory_space<vmem>>) target(%dma_start3A_108 : memref<1024xf32, #tpu.memory_space<hbm>>) target_semaphore(%run_scoped3A_99 : memref<!tpu.dma_semaphore, #tpu.memory_space<semaphore_mem>>)
        %dma_wait3A_112 = arith.constant 0 : i32
        %dma_wait3A_113 = tpu.memref_slice %arg8[%run_scoped3A_51, %dma_wait3A_112] : memref<8x1024xf32, #tpu.memory_space<vmem>> -> memref<1x1024xf32, #tpu.memory_space<vmem>>
        %dma_wait3A_114 = tpu.memref_squeeze %dma_wait3A_113 : memref<1x1024xf32, #tpu.memory_space<vmem>> -> memref<1024xf32, #tpu.memory_space<vmem>>
        %dma_wait3A_115 = arith.constant 0 : i32
        %dma_wait3A_116 = tpu.memref_slice %arg4[%mul3A_27, %run_scoped3A_52, %add3A, %dma_wait3A_115] : memref<200x8x32x1024xf32, #tpu.memory_space<hbm>> -> memref<1x1x1x1024xf32, #tpu.memory_space<hbm>>
        %dma_wait3A_117 = tpu.memref_squeeze %dma_wait3A_116 : memref<1x1x1x1024xf32, #tpu.memory_space<hbm>> -> memref<1024xf32, #tpu.memory_space<hbm>>
        %dma_wait3A_118 = arith.constant 0 : i32
        %dma_wait3A_119 = tpu.memref_slice %arg4[%mul3A_27, %run_scoped3A_52, %add3A, %dma_wait3A_118] : memref<200x8x32x1024xf32, #tpu.memory_space<hbm>> -> memref<1x1x1x1024xf32, #tpu.memory_space<hbm>>
        %dma_wait3A_120 = tpu.memref_squeeze %dma_wait3A_119 : memref<1x1x1x1024xf32, #tpu.memory_space<hbm>> -> memref<1024xf32, #tpu.memory_space<hbm>>
        %dma_wait3A_121 = arith.constant 0 : i32
        %dma_wait3A_122 = tpu.memref_slice %arg8[%run_scoped3A_51, %dma_wait3A_121] : memref<8x1024xf32, #tpu.memory_space<vmem>> -> memref<1x1024xf32, #tpu.memory_space<vmem>>
        %dma_wait3A_123 = tpu.memref_squeeze %dma_wait3A_122 : memref<1x1024xf32, #tpu.memory_space<vmem>> -> memref<1024xf32, #tpu.memory_space<vmem>>
        tpu.wait_dma2 semaphore(%run_scoped3A_99 : memref<!tpu.dma_semaphore, #tpu.memory_space<semaphore_mem>>) src(%dma_wait3A_123 : memref<1024xf32, #tpu.memory_space<vmem>>) dst(%dma_wait3A_120 : memref<1024xf32, #tpu.memory_space<hbm>>)
        tpu.yield
      }) : () -> ()
      %run_scoped3A_53 = arith.constant 5 : i32
      %run_scoped3A_54 = arith.constant 5 : i32
      "tpu.region"() ({
        %run_scoped3A_99 = tpu.sem_alloc : memref<!tpu.dma_semaphore, #tpu.memory_space<semaphore_mem>>
        %dma_start3A_100 = arith.constant 0 : i32
        %dma_start3A_101 = tpu.memref_slice %arg8[%run_scoped3A_53, %dma_start3A_100] : memref<8x1024xf32, #tpu.memory_space<vmem>> -> memref<1x1024xf32, #tpu.memory_space<vmem>>
        %dma_start3A_102 = tpu.memref_squeeze %dma_start3A_101 : memref<1x1024xf32, #tpu.memory_space<vmem>> -> memref<1024xf32, #tpu.memory_space<vmem>>
        %dma_start3A_103 = arith.constant 0 : i32
        %dma_start3A_104 = tpu.memref_slice %arg4[%mul3A_27, %run_scoped3A_54, %add3A, %dma_start3A_103] : memref<200x8x32x1024xf32, #tpu.memory_space<hbm>> -> memref<1x1x1x1024xf32, #tpu.memory_space<hbm>>
        %dma_start3A_105 = tpu.memref_squeeze %dma_start3A_104 : memref<1x1x1x1024xf32, #tpu.memory_space<hbm>> -> memref<1024xf32, #tpu.memory_space<hbm>>
        %dma_start3A_106 = arith.constant 0 : i32
        %dma_start3A_107 = tpu.memref_slice %arg4[%mul3A_27, %run_scoped3A_54, %add3A, %dma_start3A_106] : memref<200x8x32x1024xf32, #tpu.memory_space<hbm>> -> memref<1x1x1x1024xf32, #tpu.memory_space<hbm>>
        %dma_start3A_108 = tpu.memref_squeeze %dma_start3A_107 : memref<1x1x1x1024xf32, #tpu.memory_space<hbm>> -> memref<1024xf32, #tpu.memory_space<hbm>>
        %dma_start3A_109 = arith.constant 0 : i32
        %dma_start3A_110 = tpu.memref_slice %arg8[%run_scoped3A_53, %dma_start3A_109] : memref<8x1024xf32, #tpu.memory_space<vmem>> -> memref<1x1024xf32, #tpu.memory_space<vmem>>
        %dma_start3A_111 = tpu.memref_squeeze %dma_start3A_110 : memref<1x1024xf32, #tpu.memory_space<vmem>> -> memref<1024xf32, #tpu.memory_space<vmem>>
        tpu.enqueue_dma source(%dma_start3A_111 : memref<1024xf32, #tpu.memory_space<vmem>>) target(%dma_start3A_108 : memref<1024xf32, #tpu.memory_space<hbm>>) target_semaphore(%run_scoped3A_99 : memref<!tpu.dma_semaphore, #tpu.memory_space<semaphore_mem>>)
        %dma_wait3A_112 = arith.constant 0 : i32
        %dma_wait3A_113 = tpu.memref_slice %arg8[%run_scoped3A_53, %dma_wait3A_112] : memref<8x1024xf32, #tpu.memory_space<vmem>> -> memref<1x1024xf32, #tpu.memory_space<vmem>>
        %dma_wait3A_114 = tpu.memref_squeeze %dma_wait3A_113 : memref<1x1024xf32, #tpu.memory_space<vmem>> -> memref<1024xf32, #tpu.memory_space<vmem>>
        %dma_wait3A_115 = arith.constant 0 : i32
        %dma_wait3A_116 = tpu.memref_slice %arg4[%mul3A_27, %run_scoped3A_54, %add3A, %dma_wait3A_115] : memref<200x8x32x1024xf32, #tpu.memory_space<hbm>> -> memref<1x1x1x1024xf32, #tpu.memory_space<hbm>>
        %dma_wait3A_117 = tpu.memref_squeeze %dma_wait3A_116 : memref<1x1x1x1024xf32, #tpu.memory_space<hbm>> -> memref<1024xf32, #tpu.memory_space<hbm>>
        %dma_wait3A_118 = arith.constant 0 : i32
        %dma_wait3A_119 = tpu.memref_slice %arg4[%mul3A_27, %run_scoped3A_54, %add3A, %dma_wait3A_118] : memref<200x8x32x1024xf32, #tpu.memory_space<hbm>> -> memref<1x1x1x1024xf32, #tpu.memory_space<hbm>>
        %dma_wait3A_120 = tpu.memref_squeeze %dma_wait3A_119 : memref<1x1x1x1024xf32, #tpu.memory_space<hbm>> -> memref<1024xf32, #tpu.memory_space<hbm>>
        %dma_wait3A_121 = arith.constant 0 : i32
        %dma_wait3A_122 = tpu.memref_slice %arg8[%run_scoped3A_53, %dma_wait3A_121] : memref<8x1024xf32, #tpu.memory_space<vmem>> -> memref<1x1024xf32, #tpu.memory_space<vmem>>
        %dma_wait3A_123 = tpu.memref_squeeze %dma_wait3A_122 : memref<1x1024xf32, #tpu.memory_space<vmem>> -> memref<1024xf32, #tpu.memory_space<vmem>>
        tpu.wait_dma2 semaphore(%run_scoped3A_99 : memref<!tpu.dma_semaphore, #tpu.memory_space<semaphore_mem>>) src(%dma_wait3A_123 : memref<1024xf32, #tpu.memory_space<vmem>>) dst(%dma_wait3A_120 : memref<1024xf32, #tpu.memory_space<hbm>>)
        tpu.yield
      }) : () -> ()
      %run_scoped3A_55 = arith.constant 6 : i32
      %run_scoped3A_56 = arith.constant 6 : i32
      "tpu.region"() ({
        %run_scoped3A_99 = tpu.sem_alloc : memref<!tpu.dma_semaphore, #tpu.memory_space<semaphore_mem>>
        %dma_start3A_100 = arith.constant 0 : i32
        %dma_start3A_101 = tpu.memref_slice %arg8[%run_scoped3A_55, %dma_start3A_100] : memref<8x1024xf32, #tpu.memory_space<vmem>> -> memref<1x1024xf32, #tpu.memory_space<vmem>>
        %dma_start3A_102 = tpu.memref_squeeze %dma_start3A_101 : memref<1x1024xf32, #tpu.memory_space<vmem>> -> memref<1024xf32, #tpu.memory_space<vmem>>
        %dma_start3A_103 = arith.constant 0 : i32
        %dma_start3A_104 = tpu.memref_slice %arg4[%mul3A_27, %run_scoped3A_56, %add3A, %dma_start3A_103] : memref<200x8x32x1024xf32, #tpu.memory_space<hbm>> -> memref<1x1x1x1024xf32, #tpu.memory_space<hbm>>
        %dma_start3A_105 = tpu.memref_squeeze %dma_start3A_104 : memref<1x1x1x1024xf32, #tpu.memory_space<hbm>> -> memref<1024xf32, #tpu.memory_space<hbm>>
        %dma_start3A_106 = arith.constant 0 : i32
        %dma_start3A_107 = tpu.memref_slice %arg4[%mul3A_27, %run_scoped3A_56, %add3A, %dma_start3A_106] : memref<200x8x32x1024xf32, #tpu.memory_space<hbm>> -> memref<1x1x1x1024xf32, #tpu.memory_space<hbm>>
        %dma_start3A_108 = tpu.memref_squeeze %dma_start3A_107 : memref<1x1x1x1024xf32, #tpu.memory_space<hbm>> -> memref<1024xf32, #tpu.memory_space<hbm>>
        %dma_start3A_109 = arith.constant 0 : i32
        %dma_start3A_110 = tpu.memref_slice %arg8[%run_scoped3A_55, %dma_start3A_109] : memref<8x1024xf32, #tpu.memory_space<vmem>> -> memref<1x1024xf32, #tpu.memory_space<vmem>>
        %dma_start3A_111 = tpu.memref_squeeze %dma_start3A_110 : memref<1x1024xf32, #tpu.memory_space<vmem>> -> memref<1024xf32, #tpu.memory_space<vmem>>
        tpu.enqueue_dma source(%dma_start3A_111 : memref<1024xf32, #tpu.memory_space<vmem>>) target(%dma_start3A_108 : memref<1024xf32, #tpu.memory_space<hbm>>) target_semaphore(%run_scoped3A_99 : memref<!tpu.dma_semaphore, #tpu.memory_space<semaphore_mem>>)
        %dma_wait3A_112 = arith.constant 0 : i32
        %dma_wait3A_113 = tpu.memref_slice %arg8[%run_scoped3A_55, %dma_wait3A_112] : memref<8x1024xf32, #tpu.memory_space<vmem>> -> memref<1x1024xf32, #tpu.memory_space<vmem>>
        %dma_wait3A_114 = tpu.memref_squeeze %dma_wait3A_113 : memref<1x1024xf32, #tpu.memory_space<vmem>> -> memref<1024xf32, #tpu.memory_space<vmem>>
        %dma_wait3A_115 = arith.constant 0 : i32
        %dma_wait3A_116 = tpu.memref_slice %arg4[%mul3A_27, %run_scoped3A_56, %add3A, %dma_wait3A_115] : memref<200x8x32x1024xf32, #tpu.memory_space<hbm>> -> memref<1x1x1x1024xf32, #tpu.memory_space<hbm>>
        %dma_wait3A_117 = tpu.memref_squeeze %dma_wait3A_116 : memref<1x1x1x1024xf32, #tpu.memory_space<hbm>> -> memref<1024xf32, #tpu.memory_space<hbm>>
        %dma_wait3A_118 = arith.constant 0 : i32
        %dma_wait3A_119 = tpu.memref_slice %arg4[%mul3A_27, %run_scoped3A_56, %add3A, %dma_wait3A_118] : memref<200x8x32x1024xf32, #tpu.memory_space<hbm>> -> memref<1x1x1x1024xf32, #tpu.memory_space<hbm>>
        %dma_wait3A_120 = tpu.memref_squeeze %dma_wait3A_119 : memref<1x1x1x1024xf32, #tpu.memory_space<hbm>> -> memref<1024xf32, #tpu.memory_space<hbm>>
        %dma_wait3A_121 = arith.constant 0 : i32
        %dma_wait3A_122 = tpu.memref_slice %arg8[%run_scoped3A_55, %dma_wait3A_121] : memref<8x1024xf32, #tpu.memory_space<vmem>> -> memref<1x1024xf32, #tpu.memory_space<vmem>>
        %dma_wait3A_123 = tpu.memref_squeeze %dma_wait3A_122 : memref<1x1024xf32, #tpu.memory_space<vmem>> -> memref<1024xf32, #tpu.memory_space<vmem>>
        tpu.wait_dma2 semaphore(%run_scoped3A_99 : memref<!tpu.dma_semaphore, #tpu.memory_space<semaphore_mem>>) src(%dma_wait3A_123 : memref<1024xf32, #tpu.memory_space<vmem>>) dst(%dma_wait3A_120 : memref<1024xf32, #tpu.memory_space<hbm>>)
        tpu.yield
      }) : () -> ()
      %run_scoped3A_57 = arith.constant 7 : i32
      %run_scoped3A_58 = arith.constant 7 : i32
      "tpu.region"() ({
        %run_scoped3A_99 = tpu.sem_alloc : memref<!tpu.dma_semaphore, #tpu.memory_space<semaphore_mem>>
        %dma_start3A_100 = arith.constant 0 : i32
        %dma_start3A_101 = tpu.memref_slice %arg8[%run_scoped3A_57, %dma_start3A_100] : memref<8x1024xf32, #tpu.memory_space<vmem>> -> memref<1x1024xf32, #tpu.memory_space<vmem>>
        %dma_start3A_102 = tpu.memref_squeeze %dma_start3A_101 : memref<1x1024xf32, #tpu.memory_space<vmem>> -> memref<1024xf32, #tpu.memory_space<vmem>>
        %dma_start3A_103 = arith.constant 0 : i32
        %dma_start3A_104 = tpu.memref_slice %arg4[%mul3A_27, %run_scoped3A_58, %add3A, %dma_start3A_103] : memref<200x8x32x1024xf32, #tpu.memory_space<hbm>> -> memref<1x1x1x1024xf32, #tpu.memory_space<hbm>>
        %dma_start3A_105 = tpu.memref_squeeze %dma_start3A_104 : memref<1x1x1x1024xf32, #tpu.memory_space<hbm>> -> memref<1024xf32, #tpu.memory_space<hbm>>
        %dma_start3A_106 = arith.constant 0 : i32
        %dma_start3A_107 = tpu.memref_slice %arg4[%mul3A_27, %run_scoped3A_58, %add3A, %dma_start3A_106] : memref<200x8x32x1024xf32, #tpu.memory_space<hbm>> -> memref<1x1x1x1024xf32, #tpu.memory_space<hbm>>
        %dma_start3A_108 = tpu.memref_squeeze %dma_start3A_107 : memref<1x1x1x1024xf32, #tpu.memory_space<hbm>> -> memref<1024xf32, #tpu.memory_space<hbm>>
        %dma_start3A_109 = arith.constant 0 : i32
        %dma_start3A_110 = tpu.memref_slice %arg8[%run_scoped3A_57, %dma_start3A_109] : memref<8x1024xf32, #tpu.memory_space<vmem>> -> memref<1x1024xf32, #tpu.memory_space<vmem>>
        %dma_start3A_111 = tpu.memref_squeeze %dma_start3A_110 : memref<1x1024xf32, #tpu.memory_space<vmem>> -> memref<1024xf32, #tpu.memory_space<vmem>>
        tpu.enqueue_dma source(%dma_start3A_111 : memref<1024xf32, #tpu.memory_space<vmem>>) target(%dma_start3A_108 : memref<1024xf32, #tpu.memory_space<hbm>>) target_semaphore(%run_scoped3A_99 : memref<!tpu.dma_semaphore, #tpu.memory_space<semaphore_mem>>)
        %dma_wait3A_112 = arith.constant 0 : i32
        %dma_wait3A_113 = tpu.memref_slice %arg8[%run_scoped3A_57, %dma_wait3A_112] : memref<8x1024xf32, #tpu.memory_space<vmem>> -> memref<1x1024xf32, #tpu.memory_space<vmem>>
        %dma_wait3A_114 = tpu.memref_squeeze %dma_wait3A_113 : memref<1x1024xf32, #tpu.memory_space<vmem>> -> memref<1024xf32, #tpu.memory_space<vmem>>
        %dma_wait3A_115 = arith.constant 0 : i32
        %dma_wait3A_116 = tpu.memref_slice %arg4[%mul3A_27, %run_scoped3A_58, %add3A, %dma_wait3A_115] : memref<200x8x32x1024xf32, #tpu.memory_space<hbm>> -> memref<1x1x1x1024xf32, #tpu.memory_space<hbm>>
        %dma_wait3A_117 = tpu.memref_squeeze %dma_wait3A_116 : memref<1x1x1x1024xf32, #tpu.memory_space<hbm>> -> memref<1024xf32, #tpu.memory_space<hbm>>
        %dma_wait3A_118 = arith.constant 0 : i32
        %dma_wait3A_119 = tpu.memref_slice %arg4[%mul3A_27, %run_scoped3A_58, %add3A, %dma_wait3A_118] : memref<200x8x32x1024xf32, #tpu.memory_space<hbm>> -> memref<1x1x1x1024xf32, #tpu.memory_space<hbm>>
        %dma_wait3A_120 = tpu.memref_squeeze %dma_wait3A_119 : memref<1x1x1x1024xf32, #tpu.memory_space<hbm>> -> memref<1024xf32, #tpu.memory_space<hbm>>
        %dma_wait3A_121 = arith.constant 0 : i32
        %dma_wait3A_122 = tpu.memref_slice %arg8[%run_scoped3A_57, %dma_wait3A_121] : memref<8x1024xf32, #tpu.memory_space<vmem>> -> memref<1x1024xf32, #tpu.memory_space<vmem>>
        %dma_wait3A_123 = tpu.memref_squeeze %dma_wait3A_122 : memref<1x1024xf32, #tpu.memory_space<vmem>> -> memref<1024xf32, #tpu.memory_space<vmem>>
        tpu.wait_dma2 semaphore(%run_scoped3A_99 : memref<!tpu.dma_semaphore, #tpu.memory_space<semaphore_mem>>) src(%dma_wait3A_123 : memref<1024xf32, #tpu.memory_space<vmem>>) dst(%dma_wait3A_120 : memref<1024xf32, #tpu.memory_space<hbm>>)
        tpu.yield
      }) : () -> ()
      %add3A_59 = arith.constant 2 : i32
      %add3A_60 = arith.addi %mul3A_27, %add3A_59 : i32
      %lt3A = arith.constant 200 : i32
      %lt3A_61 = arith.cmpi slt, %add3A_60, %lt3A : i32
      %add3A_62 = arith.constant 2 : i32
      %add3A_63 = arith.addi %mul3A_27, %add3A_62 : i32
      %jit3A = arith.constant 0 : i32
      %select_n3A = arith.select %lt3A_61, %add3A_63, %jit3A : i32
      %dma_start3A_64 = arith.constant 0 : i32
      %dma_start3A_65 = tpu.memref_slice %arg5[%select_n3A, %dma_start3A_64] : memref<200x128xi32, #tpu.memory_space<vmem>> -> memref<1x128xi32, #tpu.memory_space<vmem>>
      %dma_start3A_66 = tpu.memref_squeeze %dma_start3A_65 : memref<1x128xi32, #tpu.memory_space<vmem>> -> memref<128xi32, #tpu.memory_space<vmem>>
      %dma_start3A_67 = arith.constant 0 : i32
      %dma_start3A_68 = arith.constant 0 : i32
      %dma_start3A_69 = tpu.memref_slice %arg3[%dma_start3A_67, %dma_start3A_68] : memref<1000000x64xf32, #tpu.memory_space<hbm>> -> memref<1000000x64xf32, #tpu.memory_space<hbm>>
      tpu.enqueue_indirect_dma source(%dma_start3A_69 : memref<1000000x64xf32, #tpu.memory_space<hbm>>) target(%arg6 : memref<128x64xf32, #tpu.memory_space<vmem>>) offsets(%dma_start3A_66 : memref<128xi32, #tpu.memory_space<vmem>>) semaphore(%arg9 : memref<!tpu.dma_semaphore, #tpu.memory_space<semaphore_mem>>)
      %add3A_70 = arith.constant 1 : i32
      %add3A_71 = arith.addi %mul3A_27, %add3A_70 : i32
      %dma_wait3A_72 = arith.constant 0 : i32
      %dma_wait3A_73 = tpu.memref_slice %arg5[%add3A_71, %dma_wait3A_72] : memref<200x128xi32, #tpu.memory_space<vmem>> -> memref<1x128xi32, #tpu.memory_space<vmem>>
      %dma_wait3A_74 = tpu.memref_squeeze %dma_wait3A_73 : memref<1x128xi32, #tpu.memory_space<vmem>> -> memref<128xi32, #tpu.memory_space<vmem>>
      %dma_wait3A_75 = arith.constant 0 : i32
      %dma_wait3A_76 = arith.constant 0 : i32
      %dma_wait3A_77 = tpu.memref_slice %arg3[%dma_wait3A_75, %dma_wait3A_76] : memref<1000000x64xf32, #tpu.memory_space<hbm>> -> memref<1000000x64xf32, #tpu.memory_space<hbm>>
      tpu.wait_indirect_dma semaphore(%arg10 : memref<!tpu.dma_semaphore, #tpu.memory_space<semaphore_mem>>) src(%dma_wait3A_77 : memref<1000000x64xf32, #tpu.memory_space<hbm>>) dst(%arg7 : memref<128x64xf32, #tpu.memory_space<vmem>>)
      %add3A_78 = arith.constant 1 : i32
      %add3A_79 = arith.addi %mul3A_27, %add3A_78 : i32
      %parallel_loop3A_80 = arith.constant 0 : i32
      %parallel_loop3A_81 = arith.constant 512 : i32
      %parallel_loop3A_82 = arith.constant 1 : i32
      scf.for %parallel_loop3A_99 = %parallel_loop3A_80 to %parallel_loop3A_81 step %parallel_loop3A_82  : i32 {
        %parallel_loop3A_100 = arith.constant 2 : i32
        %parallel_loop3A_101 = arith.shrui %parallel_loop3A_99, %parallel_loop3A_100 : i32
        %parallel_loop3A_102 = arith.constant 3 : i32
        %parallel_loop3A_103 = arith.andi %parallel_loop3A_99, %parallel_loop3A_102 : i32
        %parallel_loop3A_104 = arith.constant 16 : i32
        %parallel_loop3A_105 = arith.muli %parallel_loop3A_103, %parallel_loop3A_104 : i32
        %parallel_loop3A_106 = arith.index_cast %parallel_loop3A_101 : i32 to index
        %parallel_loop3A_107 = arith.index_cast %parallel_loop3A_105 : i32 to index
        %parallel_loop3A_108 = tpu.vector_load %arg7[%parallel_loop3A_106, %parallel_loop3A_107] {strides = array<i32>} : memref<128x64xf32, #tpu.memory_space<vmem>>, vector<16xf32>,
        %parallel_loop3A_109 = arith.constant 1 : i32
        %parallel_loop3A_110 = arith.shli %parallel_loop3A_103, %parallel_loop3A_109 : i32
        %parallel_loop3A_111 = vector.broadcast %parallel_loop3A_110 : i32 to vector<16xi32>
        %parallel_loop3A_112 = arith.addi %parallel_loop3A_111, %shift_right_logical3A_4 : vector<16xi32>
        %parallel_loop3A_113 = vector.broadcast %parallel_loop3A_101 : i32 to vector<16xi32>
        %parallel_loop3A_114 = arith.addi %shift_left3A_8, %parallel_loop3A_113 : vector<16xi32>
        tpu.vector_store_idx %arg8[%parallel_loop3A_112, %parallel_loop3A_114], %parallel_loop3A_108 : memref<8x1024xf32, #tpu.memory_space<vmem>>[vector<16xi32>, vector<16xi32>], vector<16xf32>,
      } {sc.loop_unroll_factor = 8 : i64, sc.parallel_access}
      %run_scoped3A_83 = arith.constant 0 : i32
      %run_scoped3A_84 = arith.constant 0 : i32
      "tpu.region"() ({
        %run_scoped3A_99 = tpu.sem_alloc : memref<!tpu.dma_semaphore, #tpu.memory_space<semaphore_mem>>
        %dma_start3A_100 = arith.constant 0 : i32
        %dma_start3A_101 = tpu.memref_slice %arg8[%run_scoped3A_83, %dma_start3A_100] : memref<8x1024xf32, #tpu.memory_space<vmem>> -> memref<1x1024xf32, #tpu.memory_space<vmem>>
        %dma_start3A_102 = tpu.memref_squeeze %dma_start3A_101 : memref<1x1024xf32, #tpu.memory_space<vmem>> -> memref<1024xf32, #tpu.memory_space<vmem>>
        %dma_start3A_103 = arith.constant 0 : i32
        %dma_start3A_104 = tpu.memref_slice %arg4[%add3A_79, %run_scoped3A_84, %add3A, %dma_start3A_103] : memref<200x8x32x1024xf32, #tpu.memory_space<hbm>> -> memref<1x1x1x1024xf32, #tpu.memory_space<hbm>>
        %dma_start3A_105 = tpu.memref_squeeze %dma_start3A_104 : memref<1x1x1x1024xf32, #tpu.memory_space<hbm>> -> memref<1024xf32, #tpu.memory_space<hbm>>
        %dma_start3A_106 = arith.constant 0 : i32
        %dma_start3A_107 = tpu.memref_slice %arg4[%add3A_79, %run_scoped3A_84, %add3A, %dma_start3A_106] : memref<200x8x32x1024xf32, #tpu.memory_space<hbm>> -> memref<1x1x1x1024xf32, #tpu.memory_space<hbm>>
        %dma_start3A_108 = tpu.memref_squeeze %dma_start3A_107 : memref<1x1x1x1024xf32, #tpu.memory_space<hbm>> -> memref<1024xf32, #tpu.memory_space<hbm>>
        %dma_start3A_109 = arith.constant 0 : i32
        %dma_start3A_110 = tpu.memref_slice %arg8[%run_scoped3A_83, %dma_start3A_109] : memref<8x1024xf32, #tpu.memory_space<vmem>> -> memref<1x1024xf32, #tpu.memory_space<vmem>>
        %dma_start3A_111 = tpu.memref_squeeze %dma_start3A_110 : memref<1x1024xf32, #tpu.memory_space<vmem>> -> memref<1024xf32, #tpu.memory_space<vmem>>
        tpu.enqueue_dma source(%dma_start3A_111 : memref<1024xf32, #tpu.memory_space<vmem>>) target(%dma_start3A_108 : memref<1024xf32, #tpu.memory_space<hbm>>) target_semaphore(%run_scoped3A_99 : memref<!tpu.dma_semaphore, #tpu.memory_space<semaphore_mem>>)
        %dma_wait3A_112 = arith.constant 0 : i32
        %dma_wait3A_113 = tpu.memref_slice %arg8[%run_scoped3A_83, %dma_wait3A_112] : memref<8x1024xf32, #tpu.memory_space<vmem>> -> memref<1x1024xf32, #tpu.memory_space<vmem>>
        %dma_wait3A_114 = tpu.memref_squeeze %dma_wait3A_113 : memref<1x1024xf32, #tpu.memory_space<vmem>> -> memref<1024xf32, #tpu.memory_space<vmem>>
        %dma_wait3A_115 = arith.constant 0 : i32
        %dma_wait3A_116 = tpu.memref_slice %arg4[%add3A_79, %run_scoped3A_84, %add3A, %dma_wait3A_115] : memref<200x8x32x1024xf32, #tpu.memory_space<hbm>> -> memref<1x1x1x1024xf32, #tpu.memory_space<hbm>>
        %dma_wait3A_117 = tpu.memref_squeeze %dma_wait3A_116 : memref<1x1x1x1024xf32, #tpu.memory_space<hbm>> -> memref<1024xf32, #tpu.memory_space<hbm>>
        %dma_wait3A_118 = arith.constant 0 : i32
        %dma_wait3A_119 = tpu.memref_slice %arg4[%add3A_79, %run_scoped3A_84, %add3A, %dma_wait3A_118] : memref<200x8x32x1024xf32, #tpu.memory_space<hbm>> -> memref<1x1x1x1024xf32, #tpu.memory_space<hbm>>
        %dma_wait3A_120 = tpu.memref_squeeze %dma_wait3A_119 : memref<1x1x1x1024xf32, #tpu.memory_space<hbm>> -> memref<1024xf32, #tpu.memory_space<hbm>>
        %dma_wait3A_121 = arith.constant 0 : i32
        %dma_wait3A_122 = tpu.memref_slice %arg8[%run_scoped3A_83, %dma_wait3A_121] : memref<8x1024xf32, #tpu.memory_space<vmem>> -> memref<1x1024xf32, #tpu.memory_space<vmem>>
        %dma_wait3A_123 = tpu.memref_squeeze %dma_wait3A_122 : memref<1x1024xf32, #tpu.memory_space<vmem>> -> memref<1024xf32, #tpu.memory_space<vmem>>
        tpu.wait_dma2 semaphore(%run_scoped3A_99 : memref<!tpu.dma_semaphore, #tpu.memory_space<semaphore_mem>>) src(%dma_wait3A_123 : memref<1024xf32, #tpu.memory_space<vmem>>) dst(%dma_wait3A_120 : memref<1024xf32, #tpu.memory_space<hbm>>)
        tpu.yield
      }) : () -> ()
      %run_scoped3A_85 = arith.constant 1 : i32
      %run_scoped3A_86 = arith.constant 1 : i32
      "tpu.region"() ({
        %run_scoped3A_99 = tpu.sem_alloc : memref<!tpu.dma_semaphore, #tpu.memory_space<semaphore_mem>>
        %dma_start3A_100 = arith.constant 0 : i32
        %dma_start3A_101 = tpu.memref_slice %arg8[%run_scoped3A_85, %dma_start3A_100] : memref<8x1024xf32, #tpu.memory_space<vmem>> -> memref<1x1024xf32, #tpu.memory_space<vmem>>
        %dma_start3A_102 = tpu.memref_squeeze %dma_start3A_101 : memref<1x1024xf32, #tpu.memory_space<vmem>> -> memref<1024xf32, #tpu.memory_space<vmem>>
        %dma_start3A_103 = arith.constant 0 : i32
        %dma_start3A_104 = tpu.memref_slice %arg4[%add3A_79, %run_scoped3A_86, %add3A, %dma_start3A_103] : memref<200x8x32x1024xf32, #tpu.memory_space<hbm>> -> memref<1x1x1x1024xf32, #tpu.memory_space<hbm>>
        %dma_start3A_105 = tpu.memref_squeeze %dma_start3A_104 : memref<1x1x1x1024xf32, #tpu.memory_space<hbm>> -> memref<1024xf32, #tpu.memory_space<hbm>>
        %dma_start3A_106 = arith.constant 0 : i32
        %dma_start3A_107 = tpu.memref_slice %arg4[%add3A_79, %run_scoped3A_86, %add3A, %dma_start3A_106] : memref<200x8x32x1024xf32, #tpu.memory_space<hbm>> -> memref<1x1x1x1024xf32, #tpu.memory_space<hbm>>
        %dma_start3A_108 = tpu.memref_squeeze %dma_start3A_107 : memref<1x1x1x1024xf32, #tpu.memory_space<hbm>> -> memref<1024xf32, #tpu.memory_space<hbm>>
        %dma_start3A_109 = arith.constant 0 : i32
        %dma_start3A_110 = tpu.memref_slice %arg8[%run_scoped3A_85, %dma_start3A_109] : memref<8x1024xf32, #tpu.memory_space<vmem>> -> memref<1x1024xf32, #tpu.memory_space<vmem>>
        %dma_start3A_111 = tpu.memref_squeeze %dma_start3A_110 : memref<1x1024xf32, #tpu.memory_space<vmem>> -> memref<1024xf32, #tpu.memory_space<vmem>>
        tpu.enqueue_dma source(%dma_start3A_111 : memref<1024xf32, #tpu.memory_space<vmem>>) target(%dma_start3A_108 : memref<1024xf32, #tpu.memory_space<hbm>>) target_semaphore(%run_scoped3A_99 : memref<!tpu.dma_semaphore, #tpu.memory_space<semaphore_mem>>)
        %dma_wait3A_112 = arith.constant 0 : i32
        %dma_wait3A_113 = tpu.memref_slice %arg8[%run_scoped3A_85, %dma_wait3A_112] : memref<8x1024xf32, #tpu.memory_space<vmem>> -> memref<1x1024xf32, #tpu.memory_space<vmem>>
        %dma_wait3A_114 = tpu.memref_squeeze %dma_wait3A_113 : memref<1x1024xf32, #tpu.memory_space<vmem>> -> memref<1024xf32, #tpu.memory_space<vmem>>
        %dma_wait3A_115 = arith.constant 0 : i32
        %dma_wait3A_116 = tpu.memref_slice %arg4[%add3A_79, %run_scoped3A_86, %add3A, %dma_wait3A_115] : memref<200x8x32x1024xf32, #tpu.memory_space<hbm>> -> memref<1x1x1x1024xf32, #tpu.memory_space<hbm>>
        %dma_wait3A_117 = tpu.memref_squeeze %dma_wait3A_116 : memref<1x1x1x1024xf32, #tpu.memory_space<hbm>> -> memref<1024xf32, #tpu.memory_space<hbm>>
        %dma_wait3A_118 = arith.constant 0 : i32
        %dma_wait3A_119 = tpu.memref_slice %arg4[%add3A_79, %run_scoped3A_86, %add3A, %dma_wait3A_118] : memref<200x8x32x1024xf32, #tpu.memory_space<hbm>> -> memref<1x1x1x1024xf32, #tpu.memory_space<hbm>>
        %dma_wait3A_120 = tpu.memref_squeeze %dma_wait3A_119 : memref<1x1x1x1024xf32, #tpu.memory_space<hbm>> -> memref<1024xf32, #tpu.memory_space<hbm>>
        %dma_wait3A_121 = arith.constant 0 : i32
        %dma_wait3A_122 = tpu.memref_slice %arg8[%run_scoped3A_85, %dma_wait3A_121] : memref<8x1024xf32, #tpu.memory_space<vmem>> -> memref<1x1024xf32, #tpu.memory_space<vmem>>
        %dma_wait3A_123 = tpu.memref_squeeze %dma_wait3A_122 : memref<1x1024xf32, #tpu.memory_space<vmem>> -> memref<1024xf32, #tpu.memory_space<vmem>>
        tpu.wait_dma2 semaphore(%run_scoped3A_99 : memref<!tpu.dma_semaphore, #tpu.memory_space<semaphore_mem>>) src(%dma_wait3A_123 : memref<1024xf32, #tpu.memory_space<vmem>>) dst(%dma_wait3A_120 : memref<1024xf32, #tpu.memory_space<hbm>>)
        tpu.yield
      }) : () -> ()
      %run_scoped3A_87 = arith.constant 2 : i32
      %run_scoped3A_88 = arith.constant 2 : i32
      "tpu.region"() ({
        %run_scoped3A_99 = tpu.sem_alloc : memref<!tpu.dma_semaphore, #tpu.memory_space<semaphore_mem>>
        %dma_start3A_100 = arith.constant 0 : i32
        %dma_start3A_101 = tpu.memref_slice %arg8[%run_scoped3A_87, %dma_start3A_100] : memref<8x1024xf32, #tpu.memory_space<vmem>> -> memref<1x1024xf32, #tpu.memory_space<vmem>>
        %dma_start3A_102 = tpu.memref_squeeze %dma_start3A_101 : memref<1x1024xf32, #tpu.memory_space<vmem>> -> memref<1024xf32, #tpu.memory_space<vmem>>
        %dma_start3A_103 = arith.constant 0 : i32
        %dma_start3A_104 = tpu.memref_slice %arg4[%add3A_79, %run_scoped3A_88, %add3A, %dma_start3A_103] : memref<200x8x32x1024xf32, #tpu.memory_space<hbm>> -> memref<1x1x1x1024xf32, #tpu.memory_space<hbm>>
        %dma_start3A_105 = tpu.memref_squeeze %dma_start3A_104 : memref<1x1x1x1024xf32, #tpu.memory_space<hbm>> -> memref<1024xf32, #tpu.memory_space<hbm>>
        %dma_start3A_106 = arith.constant 0 : i32
        %dma_start3A_107 = tpu.memref_slice %arg4[%add3A_79, %run_scoped3A_88, %add3A, %dma_start3A_106] : memref<200x8x32x1024xf32, #tpu.memory_space<hbm>> -> memref<1x1x1x1024xf32, #tpu.memory_space<hbm>>
        %dma_start3A_108 = tpu.memref_squeeze %dma_start3A_107 : memref<1x1x1x1024xf32, #tpu.memory_space<hbm>> -> memref<1024xf32, #tpu.memory_space<hbm>>
        %dma_start3A_109 = arith.constant 0 : i32
        %dma_start3A_110 = tpu.memref_slice %arg8[%run_scoped3A_87, %dma_start3A_109] : memref<8x1024xf32, #tpu.memory_space<vmem>> -> memref<1x1024xf32, #tpu.memory_space<vmem>>
        %dma_start3A_111 = tpu.memref_squeeze %dma_start3A_110 : memref<1x1024xf32, #tpu.memory_space<vmem>> -> memref<1024xf32, #tpu.memory_space<vmem>>
        tpu.enqueue_dma source(%dma_start3A_111 : memref<1024xf32, #tpu.memory_space<vmem>>) target(%dma_start3A_108 : memref<1024xf32, #tpu.memory_space<hbm>>) target_semaphore(%run_scoped3A_99 : memref<!tpu.dma_semaphore, #tpu.memory_space<semaphore_mem>>)
        %dma_wait3A_112 = arith.constant 0 : i32
        %dma_wait3A_113 = tpu.memref_slice %arg8[%run_scoped3A_87, %dma_wait3A_112] : memref<8x1024xf32, #tpu.memory_space<vmem>> -> memref<1x1024xf32, #tpu.memory_space<vmem>>
        %dma_wait3A_114 = tpu.memref_squeeze %dma_wait3A_113 : memref<1x1024xf32, #tpu.memory_space<vmem>> -> memref<1024xf32, #tpu.memory_space<vmem>>
        %dma_wait3A_115 = arith.constant 0 : i32
        %dma_wait3A_116 = tpu.memref_slice %arg4[%add3A_79, %run_scoped3A_88, %add3A, %dma_wait3A_115] : memref<200x8x32x1024xf32, #tpu.memory_space<hbm>> -> memref<1x1x1x1024xf32, #tpu.memory_space<hbm>>
        %dma_wait3A_117 = tpu.memref_squeeze %dma_wait3A_116 : memref<1x1x1x1024xf32, #tpu.memory_space<hbm>> -> memref<1024xf32, #tpu.memory_space<hbm>>
        %dma_wait3A_118 = arith.constant 0 : i32
        %dma_wait3A_119 = tpu.memref_slice %arg4[%add3A_79, %run_scoped3A_88, %add3A, %dma_wait3A_118] : memref<200x8x32x1024xf32, #tpu.memory_space<hbm>> -> memref<1x1x1x1024xf32, #tpu.memory_space<hbm>>
        %dma_wait3A_120 = tpu.memref_squeeze %dma_wait3A_119 : memref<1x1x1x1024xf32, #tpu.memory_space<hbm>> -> memref<1024xf32, #tpu.memory_space<hbm>>
        %dma_wait3A_121 = arith.constant 0 : i32
        %dma_wait3A_122 = tpu.memref_slice %arg8[%run_scoped3A_87, %dma_wait3A_121] : memref<8x1024xf32, #tpu.memory_space<vmem>> -> memref<1x1024xf32, #tpu.memory_space<vmem>>
        %dma_wait3A_123 = tpu.memref_squeeze %dma_wait3A_122 : memref<1x1024xf32, #tpu.memory_space<vmem>> -> memref<1024xf32, #tpu.memory_space<vmem>>
        tpu.wait_dma2 semaphore(%run_scoped3A_99 : memref<!tpu.dma_semaphore, #tpu.memory_space<semaphore_mem>>) src(%dma_wait3A_123 : memref<1024xf32, #tpu.memory_space<vmem>>) dst(%dma_wait3A_120 : memref<1024xf32, #tpu.memory_space<hbm>>)
        tpu.yield
      }) : () -> ()
      %run_scoped3A_89 = arith.constant 3 : i32
      %run_scoped3A_90 = arith.constant 3 : i32
      "tpu.region"() ({
        %run_scoped3A_99 = tpu.sem_alloc : memref<!tpu.dma_semaphore, #tpu.memory_space<semaphore_mem>>
        %dma_start3A_100 = arith.constant 0 : i32
        %dma_start3A_101 = tpu.memref_slice %arg8[%run_scoped3A_89, %dma_start3A_100] : memref<8x1024xf32, #tpu.memory_space<vmem>> -> memref<1x1024xf32, #tpu.memory_space<vmem>>
        %dma_start3A_102 = tpu.memref_squeeze %dma_start3A_101 : memref<1x1024xf32, #tpu.memory_space<vmem>> -> memref<1024xf32, #tpu.memory_space<vmem>>
        %dma_start3A_103 = arith.constant 0 : i32
        %dma_start3A_104 = tpu.memref_slice %arg4[%add3A_79, %run_scoped3A_90, %add3A, %dma_start3A_103] : memref<200x8x32x1024xf32, #tpu.memory_space<hbm>> -> memref<1x1x1x1024xf32, #tpu.memory_space<hbm>>
        %dma_start3A_105 = tpu.memref_squeeze %dma_start3A_104 : memref<1x1x1x1024xf32, #tpu.memory_space<hbm>> -> memref<1024xf32, #tpu.memory_space<hbm>>
        %dma_start3A_106 = arith.constant 0 : i32
        %dma_start3A_107 = tpu.memref_slice %arg4[%add3A_79, %run_scoped3A_90, %add3A, %dma_start3A_106] : memref<200x8x32x1024xf32, #tpu.memory_space<hbm>> -> memref<1x1x1x1024xf32, #tpu.memory_space<hbm>>
        %dma_start3A_108 = tpu.memref_squeeze %dma_start3A_107 : memref<1x1x1x1024xf32, #tpu.memory_space<hbm>> -> memref<1024xf32, #tpu.memory_space<hbm>>
        %dma_start3A_109 = arith.constant 0 : i32
        %dma_start3A_110 = tpu.memref_slice %arg8[%run_scoped3A_89, %dma_start3A_109] : memref<8x1024xf32, #tpu.memory_space<vmem>> -> memref<1x1024xf32, #tpu.memory_space<vmem>>
        %dma_start3A_111 = tpu.memref_squeeze %dma_start3A_110 : memref<1x1024xf32, #tpu.memory_space<vmem>> -> memref<1024xf32, #tpu.memory_space<vmem>>
        tpu.enqueue_dma source(%dma_start3A_111 : memref<1024xf32, #tpu.memory_space<vmem>>) target(%dma_start3A_108 : memref<1024xf32, #tpu.memory_space<hbm>>) target_semaphore(%run_scoped3A_99 : memref<!tpu.dma_semaphore, #tpu.memory_space<semaphore_mem>>)
        %dma_wait3A_112 = arith.constant 0 : i32
        %dma_wait3A_113 = tpu.memref_slice %arg8[%run_scoped3A_89, %dma_wait3A_112] : memref<8x1024xf32, #tpu.memory_space<vmem>> -> memref<1x1024xf32, #tpu.memory_space<vmem>>
        %dma_wait3A_114 = tpu.memref_squeeze %dma_wait3A_113 : memref<1x1024xf32, #tpu.memory_space<vmem>> -> memref<1024xf32, #tpu.memory_space<vmem>>
        %dma_wait3A_115 = arith.constant 0 : i32
        %dma_wait3A_116 = tpu.memref_slice %arg4[%add3A_79, %run_scoped3A_90, %add3A, %dma_wait3A_115] : memref<200x8x32x1024xf32, #tpu.memory_space<hbm>> -> memref<1x1x1x1024xf32, #tpu.memory_space<hbm>>
        %dma_wait3A_117 = tpu.memref_squeeze %dma_wait3A_116 : memref<1x1x1x1024xf32, #tpu.memory_space<hbm>> -> memref<1024xf32, #tpu.memory_space<hbm>>
        %dma_wait3A_118 = arith.constant 0 : i32
        %dma_wait3A_119 = tpu.memref_slice %arg4[%add3A_79, %run_scoped3A_90, %add3A, %dma_wait3A_118] : memref<200x8x32x1024xf32, #tpu.memory_space<hbm>> -> memref<1x1x1x1024xf32, #tpu.memory_space<hbm>>
        %dma_wait3A_120 = tpu.memref_squeeze %dma_wait3A_119 : memref<1x1x1x1024xf32, #tpu.memory_space<hbm>> -> memref<1024xf32, #tpu.memory_space<hbm>>
        %dma_wait3A_121 = arith.constant 0 : i32
        %dma_wait3A_122 = tpu.memref_slice %arg8[%run_scoped3A_89, %dma_wait3A_121] : memref<8x1024xf32, #tpu.memory_space<vmem>> -> memref<1x1024xf32, #tpu.memory_space<vmem>>
        %dma_wait3A_123 = tpu.memref_squeeze %dma_wait3A_122 : memref<1x1024xf32, #tpu.memory_space<vmem>> -> memref<1024xf32, #tpu.memory_space<vmem>>
        tpu.wait_dma2 semaphore(%run_scoped3A_99 : memref<!tpu.dma_semaphore, #tpu.memory_space<semaphore_mem>>) src(%dma_wait3A_123 : memref<1024xf32, #tpu.memory_space<vmem>>) dst(%dma_wait3A_120 : memref<1024xf32, #tpu.memory_space<hbm>>)
        tpu.yield
      }) : () -> ()
      %run_scoped3A_91 = arith.constant 4 : i32
      %run_scoped3A_92 = arith.constant 4 : i32
      "tpu.region"() ({
        %run_scoped3A_99 = tpu.sem_alloc : memref<!tpu.dma_semaphore, #tpu.memory_space<semaphore_mem>>
        %dma_start3A_100 = arith.constant 0 : i32
        %dma_start3A_101 = tpu.memref_slice %arg8[%run_scoped3A_91, %dma_start3A_100] : memref<8x1024xf32, #tpu.memory_space<vmem>> -> memref<1x1024xf32, #tpu.memory_space<vmem>>
        %dma_start3A_102 = tpu.memref_squeeze %dma_start3A_101 : memref<1x1024xf32, #tpu.memory_space<vmem>> -> memref<1024xf32, #tpu.memory_space<vmem>>
        %dma_start3A_103 = arith.constant 0 : i32
        %dma_start3A_104 = tpu.memref_slice %arg4[%add3A_79, %run_scoped3A_92, %add3A, %dma_start3A_103] : memref<200x8x32x1024xf32, #tpu.memory_space<hbm>> -> memref<1x1x1x1024xf32, #tpu.memory_space<hbm>>
        %dma_start3A_105 = tpu.memref_squeeze %dma_start3A_104 : memref<1x1x1x1024xf32, #tpu.memory_space<hbm>> -> memref<1024xf32, #tpu.memory_space<hbm>>
        %dma_start3A_106 = arith.constant 0 : i32
        %dma_start3A_107 = tpu.memref_slice %arg4[%add3A_79, %run_scoped3A_92, %add3A, %dma_start3A_106] : memref<200x8x32x1024xf32, #tpu.memory_space<hbm>> -> memref<1x1x1x1024xf32, #tpu.memory_space<hbm>>
        %dma_start3A_108 = tpu.memref_squeeze %dma_start3A_107 : memref<1x1x1x1024xf32, #tpu.memory_space<hbm>> -> memref<1024xf32, #tpu.memory_space<hbm>>
        %dma_start3A_109 = arith.constant 0 : i32
        %dma_start3A_110 = tpu.memref_slice %arg8[%run_scoped3A_91, %dma_start3A_109] : memref<8x1024xf32, #tpu.memory_space<vmem>> -> memref<1x1024xf32, #tpu.memory_space<vmem>>
        %dma_start3A_111 = tpu.memref_squeeze %dma_start3A_110 : memref<1x1024xf32, #tpu.memory_space<vmem>> -> memref<1024xf32, #tpu.memory_space<vmem>>
        tpu.enqueue_dma source(%dma_start3A_111 : memref<1024xf32, #tpu.memory_space<vmem>>) target(%dma_start3A_108 : memref<1024xf32, #tpu.memory_space<hbm>>) target_semaphore(%run_scoped3A_99 : memref<!tpu.dma_semaphore, #tpu.memory_space<semaphore_mem>>)
        %dma_wait3A_112 = arith.constant 0 : i32
        %dma_wait3A_113 = tpu.memref_slice %arg8[%run_scoped3A_91, %dma_wait3A_112] : memref<8x1024xf32, #tpu.memory_space<vmem>> -> memref<1x1024xf32, #tpu.memory_space<vmem>>
        %dma_wait3A_114 = tpu.memref_squeeze %dma_wait3A_113 : memref<1x1024xf32, #tpu.memory_space<vmem>> -> memref<1024xf32, #tpu.memory_space<vmem>>
        %dma_wait3A_115 = arith.constant 0 : i32
        %dma_wait3A_116 = tpu.memref_slice %arg4[%add3A_79, %run_scoped3A_92, %add3A, %dma_wait3A_115] : memref<200x8x32x1024xf32, #tpu.memory_space<hbm>> -> memref<1x1x1x1024xf32, #tpu.memory_space<hbm>>
        %dma_wait3A_117 = tpu.memref_squeeze %dma_wait3A_116 : memref<1x1x1x1024xf32, #tpu.memory_space<hbm>> -> memref<1024xf32, #tpu.memory_space<hbm>>
        %dma_wait3A_118 = arith.constant 0 : i32
        %dma_wait3A_119 = tpu.memref_slice %arg4[%add3A_79, %run_scoped3A_92, %add3A, %dma_wait3A_118] : memref<200x8x32x1024xf32, #tpu.memory_space<hbm>> -> memref<1x1x1x1024xf32, #tpu.memory_space<hbm>>
        %dma_wait3A_120 = tpu.memref_squeeze %dma_wait3A_119 : memref<1x1x1x1024xf32, #tpu.memory_space<hbm>> -> memref<1024xf32, #tpu.memory_space<hbm>>
        %dma_wait3A_121 = arith.constant 0 : i32
        %dma_wait3A_122 = tpu.memref_slice %arg8[%run_scoped3A_91, %dma_wait3A_121] : memref<8x1024xf32, #tpu.memory_space<vmem>> -> memref<1x1024xf32, #tpu.memory_space<vmem>>
        %dma_wait3A_123 = tpu.memref_squeeze %dma_wait3A_122 : memref<1x1024xf32, #tpu.memory_space<vmem>> -> memref<1024xf32, #tpu.memory_space<vmem>>
        tpu.wait_dma2 semaphore(%run_scoped3A_99 : memref<!tpu.dma_semaphore, #tpu.memory_space<semaphore_mem>>) src(%dma_wait3A_123 : memref<1024xf32, #tpu.memory_space<vmem>>) dst(%dma_wait3A_120 : memref<1024xf32, #tpu.memory_space<hbm>>)
        tpu.yield
      }) : () -> ()
      %run_scoped3A_93 = arith.constant 5 : i32
      %run_scoped3A_94 = arith.constant 5 : i32
      "tpu.region"() ({
        %run_scoped3A_99 = tpu.sem_alloc : memref<!tpu.dma_semaphore, #tpu.memory_space<semaphore_mem>>
        %dma_start3A_100 = arith.constant 0 : i32
        %dma_start3A_101 = tpu.memref_slice %arg8[%run_scoped3A_93, %dma_start3A_100] : memref<8x1024xf32, #tpu.memory_space<vmem>> -> memref<1x1024xf32, #tpu.memory_space<vmem>>
        %dma_start3A_102 = tpu.memref_squeeze %dma_start3A_101 : memref<1x1024xf32, #tpu.memory_space<vmem>> -> memref<1024xf32, #tpu.memory_space<vmem>>
        %dma_start3A_103 = arith.constant 0 : i32
        %dma_start3A_104 = tpu.memref_slice %arg4[%add3A_79, %run_scoped3A_94, %add3A, %dma_start3A_103] : memref<200x8x32x1024xf32, #tpu.memory_space<hbm>> -> memref<1x1x1x1024xf32, #tpu.memory_space<hbm>>
        %dma_start3A_105 = tpu.memref_squeeze %dma_start3A_104 : memref<1x1x1x1024xf32, #tpu.memory_space<hbm>> -> memref<1024xf32, #tpu.memory_space<hbm>>
        %dma_start3A_106 = arith.constant 0 : i32
        %dma_start3A_107 = tpu.memref_slice %arg4[%add3A_79, %run_scoped3A_94, %add3A, %dma_start3A_106] : memref<200x8x32x1024xf32, #tpu.memory_space<hbm>> -> memref<1x1x1x1024xf32, #tpu.memory_space<hbm>>
        %dma_start3A_108 = tpu.memref_squeeze %dma_start3A_107 : memref<1x1x1x1024xf32, #tpu.memory_space<hbm>> -> memref<1024xf32, #tpu.memory_space<hbm>>
        %dma_start3A_109 = arith.constant 0 : i32
        %dma_start3A_110 = tpu.memref_slice %arg8[%run_scoped3A_93, %dma_start3A_109] : memref<8x1024xf32, #tpu.memory_space<vmem>> -> memref<1x1024xf32, #tpu.memory_space<vmem>>
        %dma_start3A_111 = tpu.memref_squeeze %dma_start3A_110 : memref<1x1024xf32, #tpu.memory_space<vmem>> -> memref<1024xf32, #tpu.memory_space<vmem>>
        tpu.enqueue_dma source(%dma_start3A_111 : memref<1024xf32, #tpu.memory_space<vmem>>) target(%dma_start3A_108 : memref<1024xf32, #tpu.memory_space<hbm>>) target_semaphore(%run_scoped3A_99 : memref<!tpu.dma_semaphore, #tpu.memory_space<semaphore_mem>>)
        %dma_wait3A_112 = arith.constant 0 : i32
        %dma_wait3A_113 = tpu.memref_slice %arg8[%run_scoped3A_93, %dma_wait3A_112] : memref<8x1024xf32, #tpu.memory_space<vmem>> -> memref<1x1024xf32, #tpu.memory_space<vmem>>
        %dma_wait3A_114 = tpu.memref_squeeze %dma_wait3A_113 : memref<1x1024xf32, #tpu.memory_space<vmem>> -> memref<1024xf32, #tpu.memory_space<vmem>>
        %dma_wait3A_115 = arith.constant 0 : i32
        %dma_wait3A_116 = tpu.memref_slice %arg4[%add3A_79, %run_scoped3A_94, %add3A, %dma_wait3A_115] : memref<200x8x32x1024xf32, #tpu.memory_space<hbm>> -> memref<1x1x1x1024xf32, #tpu.memory_space<hbm>>
        %dma_wait3A_117 = tpu.memref_squeeze %dma_wait3A_116 : memref<1x1x1x1024xf32, #tpu.memory_space<hbm>> -> memref<1024xf32, #tpu.memory_space<hbm>>
        %dma_wait3A_118 = arith.constant 0 : i32
        %dma_wait3A_119 = tpu.memref_slice %arg4[%add3A_79, %run_scoped3A_94, %add3A, %dma_wait3A_118] : memref<200x8x32x1024xf32, #tpu.memory_space<hbm>> -> memref<1x1x1x1024xf32, #tpu.memory_space<hbm>>
        %dma_wait3A_120 = tpu.memref_squeeze %dma_wait3A_119 : memref<1x1x1x1024xf32, #tpu.memory_space<hbm>> -> memref<1024xf32, #tpu.memory_space<hbm>>
        %dma_wait3A_121 = arith.constant 0 : i32
        %dma_wait3A_122 = tpu.memref_slice %arg8[%run_scoped3A_93, %dma_wait3A_121] : memref<8x1024xf32, #tpu.memory_space<vmem>> -> memref<1x1024xf32, #tpu.memory_space<vmem>>
        %dma_wait3A_123 = tpu.memref_squeeze %dma_wait3A_122 : memref<1x1024xf32, #tpu.memory_space<vmem>> -> memref<1024xf32, #tpu.memory_space<vmem>>
        tpu.wait_dma2 semaphore(%run_scoped3A_99 : memref<!tpu.dma_semaphore, #tpu.memory_space<semaphore_mem>>) src(%dma_wait3A_123 : memref<1024xf32, #tpu.memory_space<vmem>>) dst(%dma_wait3A_120 : memref<1024xf32, #tpu.memory_space<hbm>>)
        tpu.yield
      }) : () -> ()
      %run_scoped3A_95 = arith.constant 6 : i32
      %run_scoped3A_96 = arith.constant 6 : i32
      "tpu.region"() ({
        %run_scoped3A_99 = tpu.sem_alloc : memref<!tpu.dma_semaphore, #tpu.memory_space<semaphore_mem>>
        %dma_start3A_100 = arith.constant 0 : i32
        %dma_start3A_101 = tpu.memref_slice %arg8[%run_scoped3A_95, %dma_start3A_100] : memref<8x1024xf32, #tpu.memory_space<vmem>> -> memref<1x1024xf32, #tpu.memory_space<vmem>>
        %dma_start3A_102 = tpu.memref_squeeze %dma_start3A_101 : memref<1x1024xf32, #tpu.memory_space<vmem>> -> memref<1024xf32, #tpu.memory_space<vmem>>
        %dma_start3A_103 = arith.constant 0 : i32
        %dma_start3A_104 = tpu.memref_slice %arg4[%add3A_79, %run_scoped3A_96, %add3A, %dma_start3A_103] : memref<200x8x32x1024xf32, #tpu.memory_space<hbm>> -> memref<1x1x1x1024xf32, #tpu.memory_space<hbm>>
        %dma_start3A_105 = tpu.memref_squeeze %dma_start3A_104 : memref<1x1x1x1024xf32, #tpu.memory_space<hbm>> -> memref<1024xf32, #tpu.memory_space<hbm>>
        %dma_start3A_106 = arith.constant 0 : i32
        %dma_start3A_107 = tpu.memref_slice %arg4[%add3A_79, %run_scoped3A_96, %add3A, %dma_start3A_106] : memref<200x8x32x1024xf32, #tpu.memory_space<hbm>> -> memref<1x1x1x1024xf32, #tpu.memory_space<hbm>>
        %dma_start3A_108 = tpu.memref_squeeze %dma_start3A_107 : memref<1x1x1x1024xf32, #tpu.memory_space<hbm>> -> memref<1024xf32, #tpu.memory_space<hbm>>
        %dma_start3A_109 = arith.constant 0 : i32
        %dma_start3A_110 = tpu.memref_slice %arg8[%run_scoped3A_95, %dma_start3A_109] : memref<8x1024xf32, #tpu.memory_space<vmem>> -> memref<1x1024xf32, #tpu.memory_space<vmem>>
        %dma_start3A_111 = tpu.memref_squeeze %dma_start3A_110 : memref<1x1024xf32, #tpu.memory_space<vmem>> -> memref<1024xf32, #tpu.memory_space<vmem>>
        tpu.enqueue_dma source(%dma_start3A_111 : memref<1024xf32, #tpu.memory_space<vmem>>) target(%dma_start3A_108 : memref<1024xf32, #tpu.memory_space<hbm>>) target_semaphore(%run_scoped3A_99 : memref<!tpu.dma_semaphore, #tpu.memory_space<semaphore_mem>>)
        %dma_wait3A_112 = arith.constant 0 : i32
        %dma_wait3A_113 = tpu.memref_slice %arg8[%run_scoped3A_95, %dma_wait3A_112] : memref<8x1024xf32, #tpu.memory_space<vmem>> -> memref<1x1024xf32, #tpu.memory_space<vmem>>
        %dma_wait3A_114 = tpu.memref_squeeze %dma_wait3A_113 : memref<1x1024xf32, #tpu.memory_space<vmem>> -> memref<1024xf32, #tpu.memory_space<vmem>>
        %dma_wait3A_115 = arith.constant 0 : i32
        %dma_wait3A_116 = tpu.memref_slice %arg4[%add3A_79, %run_scoped3A_96, %add3A, %dma_wait3A_115] : memref<200x8x32x1024xf32, #tpu.memory_space<hbm>> -> memref<1x1x1x1024xf32, #tpu.memory_space<hbm>>
        %dma_wait3A_117 = tpu.memref_squeeze %dma_wait3A_116 : memref<1x1x1x1024xf32, #tpu.memory_space<hbm>> -> memref<1024xf32, #tpu.memory_space<hbm>>
        %dma_wait3A_118 = arith.constant 0 : i32
        %dma_wait3A_119 = tpu.memref_slice %arg4[%add3A_79, %run_scoped3A_96, %add3A, %dma_wait3A_118] : memref<200x8x32x1024xf32, #tpu.memory_space<hbm>> -> memref<1x1x1x1024xf32, #tpu.memory_space<hbm>>
        %dma_wait3A_120 = tpu.memref_squeeze %dma_wait3A_119 : memref<1x1x1x1024xf32, #tpu.memory_space<hbm>> -> memref<1024xf32, #tpu.memory_space<hbm>>
        %dma_wait3A_121 = arith.constant 0 : i32
        %dma_wait3A_122 = tpu.memref_slice %arg8[%run_scoped3A_95, %dma_wait3A_121] : memref<8x1024xf32, #tpu.memory_space<vmem>> -> memref<1x1024xf32, #tpu.memory_space<vmem>>
        %dma_wait3A_123 = tpu.memref_squeeze %dma_wait3A_122 : memref<1x1024xf32, #tpu.memory_space<vmem>> -> memref<1024xf32, #tpu.memory_space<vmem>>
        tpu.wait_dma2 semaphore(%run_scoped3A_99 : memref<!tpu.dma_semaphore, #tpu.memory_space<semaphore_mem>>) src(%dma_wait3A_123 : memref<1024xf32, #tpu.memory_space<vmem>>) dst(%dma_wait3A_120 : memref<1024xf32, #tpu.memory_space<hbm>>)
        tpu.yield
      }) : () -> ()
      %run_scoped3A_97 = arith.constant 7 : i32
      %run_scoped3A_98 = arith.constant 7 : i32
      "tpu.region"() ({
        %run_scoped3A_99 = tpu.sem_alloc : memref<!tpu.dma_semaphore, #tpu.memory_space<semaphore_mem>>
        %dma_start3A_100 = arith.constant 0 : i32
        %dma_start3A_101 = tpu.memref_slice %arg8[%run_scoped3A_97, %dma_start3A_100] : memref<8x1024xf32, #tpu.memory_space<vmem>> -> memref<1x1024xf32, #tpu.memory_space<vmem>>
        %dma_start3A_102 = tpu.memref_squeeze %dma_start3A_101 : memref<1x1024xf32, #tpu.memory_space<vmem>> -> memref<1024xf32, #tpu.memory_space<vmem>>
        %dma_start3A_103 = arith.constant 0 : i32
        %dma_start3A_104 = tpu.memref_slice %arg4[%add3A_79, %run_scoped3A_98, %add3A, %dma_start3A_103] : memref<200x8x32x1024xf32, #tpu.memory_space<hbm>> -> memref<1x1x1x1024xf32, #tpu.memory_space<hbm>>
        %dma_start3A_105 = tpu.memref_squeeze %dma_start3A_104 : memref<1x1x1x1024xf32, #tpu.memory_space<hbm>> -> memref<1024xf32, #tpu.memory_space<hbm>>
        %dma_start3A_106 = arith.constant 0 : i32
        %dma_start3A_107 = tpu.memref_slice %arg4[%add3A_79, %run_scoped3A_98, %add3A, %dma_start3A_106] : memref<200x8x32x1024xf32, #tpu.memory_space<hbm>> -> memref<1x1x1x1024xf32, #tpu.memory_space<hbm>>
        %dma_start3A_108 = tpu.memref_squeeze %dma_start3A_107 : memref<1x1x1x1024xf32, #tpu.memory_space<hbm>> -> memref<1024xf32, #tpu.memory_space<hbm>>
        %dma_start3A_109 = arith.constant 0 : i32
        %dma_start3A_110 = tpu.memref_slice %arg8[%run_scoped3A_97, %dma_start3A_109] : memref<8x1024xf32, #tpu.memory_space<vmem>> -> memref<1x1024xf32, #tpu.memory_space<vmem>>
        %dma_start3A_111 = tpu.memref_squeeze %dma_start3A_110 : memref<1x1024xf32, #tpu.memory_space<vmem>> -> memref<1024xf32, #tpu.memory_space<vmem>>
        tpu.enqueue_dma source(%dma_start3A_111 : memref<1024xf32, #tpu.memory_space<vmem>>) target(%dma_start3A_108 : memref<1024xf32, #tpu.memory_space<hbm>>) target_semaphore(%run_scoped3A_99 : memref<!tpu.dma_semaphore, #tpu.memory_space<semaphore_mem>>)
        %dma_wait3A_112 = arith.constant 0 : i32
        %dma_wait3A_113 = tpu.memref_slice %arg8[%run_scoped3A_97, %dma_wait3A_112] : memref<8x1024xf32, #tpu.memory_space<vmem>> -> memref<1x1024xf32, #tpu.memory_space<vmem>>
        %dma_wait3A_114 = tpu.memref_squeeze %dma_wait3A_113 : memref<1x1024xf32, #tpu.memory_space<vmem>> -> memref<1024xf32, #tpu.memory_space<vmem>>
        %dma_wait3A_115 = arith.constant 0 : i32
        %dma_wait3A_116 = tpu.memref_slice %arg4[%add3A_79, %run_scoped3A_98, %add3A, %dma_wait3A_115] : memref<200x8x32x1024xf32, #tpu.memory_space<hbm>> -> memref<1x1x1x1024xf32, #tpu.memory_space<hbm>>
        %dma_wait3A_117 = tpu.memref_squeeze %dma_wait3A_116 : memref<1x1x1x1024xf32, #tpu.memory_space<hbm>> -> memref<1024xf32, #tpu.memory_space<hbm>>
        %dma_wait3A_118 = arith.constant 0 : i32
        %dma_wait3A_119 = tpu.memref_slice %arg4[%add3A_79, %run_scoped3A_98, %add3A, %dma_wait3A_118] : memref<200x8x32x1024xf32, #tpu.memory_space<hbm>> -> memref<1x1x1x1024xf32, #tpu.memory_space<hbm>>
        %dma_wait3A_120 = tpu.memref_squeeze %dma_wait3A_119 : memref<1x1x1x1024xf32, #tpu.memory_space<hbm>> -> memref<1024xf32, #tpu.memory_space<hbm>>
        %dma_wait3A_121 = arith.constant 0 : i32
        %dma_wait3A_122 = tpu.memref_slice %arg8[%run_scoped3A_97, %dma_wait3A_121] : memref<8x1024xf32, #tpu.memory_space<vmem>> -> memref<1x1024xf32, #tpu.memory_space<vmem>>
        %dma_wait3A_123 = tpu.memref_squeeze %dma_wait3A_122 : memref<1x1024xf32, #tpu.memory_space<vmem>> -> memref<1024xf32, #tpu.memory_space<vmem>>
        tpu.wait_dma2 semaphore(%run_scoped3A_99 : memref<!tpu.dma_semaphore, #tpu.memory_space<semaphore_mem>>) src(%dma_wait3A_123 : memref<1024xf32, #tpu.memory_space<vmem>>) dst(%dma_wait3A_120 : memref<1024xf32, #tpu.memory_space<hbm>>)
        tpu.yield
      }) : () -> ()
    }
    %scan3A_18 = arith.constant 100 : i32
    %dma_wait3A = arith.constant 0 : i32
    %dma_wait3A_19 = arith.constant 0 : i32
    %dma_wait3A_20 = tpu.memref_slice %arg5[%dma_wait3A, %dma_wait3A_19] : memref<200x128xi32, #tpu.memory_space<vmem>> -> memref<1x128xi32, #tpu.memory_space<vmem>>
    %dma_wait3A_21 = tpu.memref_squeeze %dma_wait3A_20 : memref<1x128xi32, #tpu.memory_space<vmem>> -> memref<128xi32, #tpu.memory_space<vmem>>
    %dma_wait3A_22 = arith.constant 0 : i32
    %dma_wait3A_23 = arith.constant 0 : i32
    %dma_wait3A_24 = tpu.memref_slice %arg3[%dma_wait3A_22, %dma_wait3A_23] : memref<1000000x64xf32, #tpu.memory_space<hbm>> -> memref<1000000x64xf32, #tpu.memory_space<hbm>>
    tpu.wait_indirect_dma semaphore(%arg9 : memref<!tpu.dma_semaphore, #tpu.memory_space<semaphore_mem>>) src(%dma_wait3A_24 : memref<1000000x64xf32, #tpu.memory_space<hbm>>) dst(%arg6 : memref<128x64xf32, #tpu.memory_space<vmem>>)
    return
  }
}

</mosaic_0001>

<sc_bundles>
// kernel: kernel.4.cloned.1.call-start
scs
__scs_entry_jumppad:
0x0: {  	(pc) =	sbr.rel $0x88, $3  }
0x1: {  	(tag) =	ssettag $0x0;
	lr =	simm.s32 $0x1  }
0x2: {  	[smem:$0x3F9F] =	sst lr;
	_ =	strace $0xD0000000  }
0x3: {  	_ = 	snop  }
0x4: {  	_ = 	snop  }
0x5: {  	_ = 	snop  }
0x6: {  	_ = 	snop  }
0x7: {  	_ = 	snop  }
__scs_overlays_trampoline_lowered:
0x8: {  	[smem:$0x3FAE] =	sst s0  }
0x9: {  	[smem:$0x3FAF] =	sst s1  }
0xa: {  	[smem:$0x3FB0] =	sst s2  }
0xb: {  	[smem:$0x3FB1] =	sst s3  }
0xc: {  	[smem:$0x3FB2] =	sst s4  }
0xd: {  	[smem:$0x3FB3] =	sst s5  }
0xe: {  	[smem:$0x3FB4] =	sst s6  }
0xf: {  	[smem:$0x3FB5] =	sst s7  }
0x10: {  	[smem:$0x3FB6] =	sst s8  }
0x11: {  	[smem:$0x3FB7] =	sst s9;
	s0 =	simm.s32 @!p0 $0x0  }
0x12: {  	s1 =	sld [smem:$0x3F9D];
	s0 =	simm.s32 @p0 $0x1  }
0x13: {  	[smem:$0x3FB8] =	sst s0;
	s0 =	simm.s32 @!p1 $0x0  }
0x14: {  	s2 =	sld [smem:$0x3F9C];
	s0 =	simm.s32 @p1 $0x1  }
0x15: {  	[smem:$0x3FB9] =	sst s0;
	s0 =	simm.s32 @!p2 $0x0  }
0x16: {  	s3 =	sld [smem:$0x3FDB];
	s0 =	simm.s32 @p2 $0x1  }
0x17: {  	s4 =	simm.s32 $0x1BF5;
	[smem:$0x3FBB] =	sst s0  }
0x18: {  	s0 =	sld [smem:$0x3F9E];
	_ =	swait.ge [sflag:s4], $0x0  }
0x19: {  	s7 =	sld [smem:$0x3F9F]  }
0x1a: {  	s8 =	sadd.s32 $0xFFFFE003, lr  }
0x1b: {  	s9 =	sadd.s32 $0xFFFFFEF7, lr;
	s5 =	simm.s32 $0xFFFFFFFF;
	p2 =	slt.u32 s8, $0xFFFFF086  }
0x1c: {  	p1 =	slt.u32 s9, $0xF7A;
	s5 =	simm.s32 @!p2 $0x0  }
0x1d: {  	s5 =	simm.s32 @p1 $0x1;
	p0 =	seq.s32 s7, s2  }
0x1e: {  	s7 =	smul.u32 @!p0 $0xF7A, s2;
	p2 =	seq.s32 @!p0 s5, $0x0  }
0x1f: {  	s9 =	smul.u32 $0xF7A, s1;
	s8 =	simm.s32 @!p0 $0x1BF5;
	p2 =	por !p2, p0  }
0x20: {  	[sflag:s8] =	ssyncset.s32 @!p0 $0xFFFFF086;
	s6 =	sadd.s32 @!p0 s3, s7;
	s7 =	simm.s32 @!p0 $0x108  }
0x21: {  	s3 =	sadd.s32 s3, s9;
	s6 =	sadd.s32 @!p0 $0x88, s6;
	s7 =	simm.s32 @p2 $0x1082  }
0x22: {  	[simem:s7], [sflag:s8] =	dma.local @!p0 [hbm:s6], $0xF7A  }
0x23: {  	s9 =	sor.u32 $0xD0000000, s2;
	s6 =	simm.s32 $0x108;
	_ =	swait.ge @!p0 [sflag:s8], $0x0  }
0x24: {  	s3 =	sadd.s32 $0x88, s3;
	s6 =	simm.s32 @!p1 $0x1082;
	[sflag:s4] =	ssyncset.s32 $0xFFFFF086  }
0x25: {  	[simem:s6], [sflag:s4] =	dma.local [hbm:s3], $0xF7A  }
0x26: {  	[smem:$0x3F9F] =	sst s1;
	(tag) =	ssettag s2;
	_ =	strace s9  }
0x27: {  	s1 =	sld [smem:$0x3FAF]  }
0x28: {  	s2 =	sld [smem:$0x3FB0]  }
0x29: {  	s4 =	sld [smem:$0x3FB2]  }
0x2a: {  	p0 =	seq.s32 s5, $0x0;
	s5 =	sld [smem:$0x3FB3]  }
0x2b: {  	s6 =	sld [smem:$0x3FB4]  }
0x2c: {  	s7 =	sld [smem:$0x3FB5]  }
0x2d: {  	s3 =	simm.s32 $0x108;
	s8 =	sld [smem:$0x3FB6]  }
0x2e: {  	s3 =	simm.s32 @!p0 $0x1082;
	s9 =	sld [smem:$0x3FB7]  }
0x2f: {  	lr =	sadd.s32 s0, s3;
	s0 =	sld [smem:$0x3FAE]  }
0x30: {  	s3 =	sld [smem:$0x3FB1]  }
0x31: {  	[smem:$0x3FBA] =	sst s10  }
0x32: {  	s10 =	sld [smem:$0x3FB8];
	_ =	sdelay $0x3  }
0x33: {  	p0 =	seq.s32 s10, $0x1;
	s10 =	sld [smem:$0x3FBA];
	_ =	sdelay $0x3  }
0x34: {  	[smem:$0x3FBA] =	sst s10  }
0x35: {  	s10 =	sld [smem:$0x3FB9];
	_ =	sdelay $0x3  }
0x36: {  	p1 =	seq.s32 s10, $0x1;
	s10 =	sld [smem:$0x3FBA];
	_ =	sdelay $0x3  }
0x37: {  	[smem:$0x3FBA] =	sst s10  }
0x38: {  	s10 =	sld [smem:$0x3FBB]  }
0x39: {  	_ = 	snop;
	(pc) =	sbr.ind lr, $3  }
0x3a: {  	_ = 	snop  }
0x3b: {  	_ = 	snop  }
0x3c: {  	p2 =	seq.s32 s10, $0x1;
	s10 =	sld [smem:$0x3FBA]  }
0x3d: {  	_ =	shalt  }
0x3e: {  	_ =	shalt  }
0x3f: {  	_ =	shalt  }
0x40: {  	_ =	shalt  }
0x41: {  	_ =	shalt  }
0x42: {  	_ =	shalt  }
0x43: {  	_ =	shalt  }
0x44: {  	_ =	shalt  }
0x45: {  	_ =	shalt  }
0x46: {  	_ =	shalt  }
0x47: {  	_ =	shalt  }
0x48: {  	_ =	shalt  }
0x49: {  	_ =	shalt  }
0x4a: {  	_ =	shalt  }
0x4b: {  	_ =	shalt  }
0x4c: {  	_ =	shalt  }
0x4d: {  	_ =	shalt  }
0x4e: {  	_ =	shalt  }
0x4f: {  	_ =	shalt  }
0x50: {  	_ =	shalt  }
0x51: {  	_ =	shalt  }
0x52: {  	_ =	shalt  }
0x53: {  	_ =	shalt  }
0x54: {  	_ =	shalt  }
0x55: {  	_ =	shalt  }
0x56: {  	_ =	shalt  }
0x57: {  	_ =	shalt  }
0x58: {  	_ =	shalt  }
0x59: {  	_ =	shalt  }
0x5a: {  	_ =	shalt  }
0x5b: {  	_ =	shalt  }
0x5c: {  	_ =	shalt  }
0x5d: {  	_ =	shalt  }
0x5e: {  	_ =	shalt  }
0x5f: {  	_ =	shalt  }
0x60: {  	_ =	shalt  }
0x61: {  	_ =	shalt  }
0x62: {  	_ =	shalt  }
0x63: {  	_ =	shalt  }
0x64: {  	_ =	shalt  }
0x65: {  	_ =	shalt  }
0x66: {  	_ =	shalt  }
0x67: {  	_ =	shalt  }
0x68: {  	_ =	shalt  }
0x69: {  	_ =	shalt  }
0x6a: {  	_ =	shalt  }
0x6b: {  	_ =	shalt  }
0x6c: {  	_ =	shalt  }
0x6d: {  	_ =	shalt  }
0x6e: {  	_ =	shalt  }
0x6f: {  	_ =	shalt  }
0x70: {  	_ =	shalt  }
0x71: {  	_ =	shalt  }
0x72: {  	_ =	shalt  }
0x73: {  	_ =	shalt  }
0x74: {  	_ =	shalt  }
0x75: {  	_ =	shalt  }
0x76: {  	_ =	shalt  }
0x77: {  	_ =	shalt  }
0x78: {  	_ =	shalt  }
0x79: {  	_ =	shalt  }
0x7a: {  	_ =	shalt  }
0x7b: {  	_ =	shalt  }
0x7c: {  	_ =	shalt  }
0x7d: {  	_ =	shalt  }
0x7e: {  	_ =	shalt  }
0x7f: {  	_ =	shalt  }
0x80: {  	_ =	shalt  }
0x81: {  	_ =	shalt  }
0x82: {  	_ =	shalt  }
0x83: {  	_ =	shalt  }
0x84: {  	_ =	shalt  }
0x85: {  	_ =	shalt  }
0x86: {  	_ =	shalt  }
0x87: {  	_ =	shalt  }
.Lfunc_end0:
.L_simem_size_0:
called_computation_lowered:
.L_overlay_start_0:
0x88: {  	s2 =	sld [smem:$0x3FD9]  }
0x89: {  	s3 =	sld [smem:$0x3FFE];
	_ =	sdelay $0x1  }
0x8a: {  	s1 =	srdreg.scid  }
0x8b: {  	s0 =	sand.u32 $0x1, s1  }
0x8c: {  	s17 =	sshll.u32 s0, $0xA;
	s2 =	sadd.s32 s3, s2  }
0x8d: {  	s2 =	sadd.s32 s2, s17  }
0x8e: {  	[smem:$0x3FC6] =	sst s2  }
0x8f: {  	_ = 	snop  }
0x90: {  	s2 =	sld [smem:$0x3FC8];
	(tm) =	ssettm $0x1  }
0x91: {  	s18 =	sld [smem:$0x3FFB];
	_ =	sdelay $0x3  }
0x92: {  	_ =	strace s18  }
0x93: {  	s3 =	sld [smem:$0x3FFC];
	_ =	sdelay $0x3  }
0x94: {  	_ =	strace s3  }
0x95: {  	s3 =	sld [smem:$0x3FFD];
	_ =	sdelay $0x3  }
0x96: {  	_ =	strace s3  }
0x97: {  	_ =	strace $0x8FFFFFFF  }
0x98: {  	s19 =	sld [smem:$0x3FDB];
	_ =	sdelay $0x1  }
0x99: {  	s4 =	simm.s32 $_scs_section_size  }
0x9a: {  	s5 =	simm.s32 $_size__tile_overlayer_lowered;
	s6 =	simm.s32 $_tile_overlayer_lowered  }
0x9b: {  	s22 =	simm.s32 $0x1BFF;
	s21 =	sshll.u32 s6, $0x1;
	s3 =	sadd.s32 s4, s19  }
0x9c: {  	s7 =	simm.s32 $0x0;
	s20 =	sshll.u32 s5, $0x1;
	s5 =	sadd.s32 s21, s3  }
0x9d: {  	[timem:s7], [sflag:s22] =	dma.local [hbm:s5], s20  }
0x9e: {  	_ =	swait.ge [sflag:s22], s20  }
0x9f: {  	s4 =	ssub.s32 $0x0, s20;
	[sflag:s22] =	ssyncset.done $0x0  }
0xa0: {  	[sflag:s22] =	ssyncadd.s32 s4;
	_ =	sdelay $0x1  }
0xa1: {  	s23 =	simm.s32 $0x1B8B  }
0xa2: {  	_ =	swait.ge [sflag:s23], $0x1  }
0xa3: {  	[sflag:s23] =	ssyncset.done $0x0  }
0xa4: {  	s25 =	simm.s32 $0x1B8E;
	s24 =	sld [smem:$0x3FFE];
	[sflag:s23] =	ssyncadd.s32 $0xFFFFFFFF  }
0xa5: {  	s26 =	simm.s32 $execute0_lowered;
	[smem:$0x3FD2] =	sst s25  }
0xa6: {  	s5 =	sshll.u32 s26, $0x1;
	_ =	strace $0x80000046;
	[dreg:$0x1] =	wrdreg $0xFFFFFFFF  }
0xa7: {  	s28 =	simm.s32 $_size_execute0_lowered;
	s3 =	sadd.s32 s3, s5;
	[dreg:$0x0] =	wrdreg $0x0  }
0xa8: {  	s5 =	sshll.u32 s28, $0x1;
	[dreg:$0x2] =	wrdreg s3  }
0xa9: {  	[dreg:$0x3] =	wrdreg s5  }
0xaa: {  	[dreg:$0x4] =	wrdreg $0xC0  }
0xab: {  	_ =	task [dreg:s7], $0x5FFFF  }
0xac: {  	[dreg:$0x1] =	wrdreg $0xFFFFFFFF  }
0xad: {  	[dreg:$0x0] =	wrdreg $0x60  }
0xae: {  	[dreg:$0x2] =	wrdreg s2  }
0xaf: {  	[dreg:$0x3] =	wrdreg s24  }
0xb0: {  	[dreg:$0x4] =	wrdreg $0x9  }
0xb1: {  	_ =	task.clear_ibuf [dreg:s7], $0x5FFFF;
	_ =	strace $0x90000046  }
0xb2: {  	s29 =	simm.s32 $0x9;
	_ =	strace $0x80000048  }
0xb3: {  	_ =	swait.ge [sflag:s29], $0x1  }
0xb4: {  	[sflag:s29] =	ssyncadd.s32 $0xFFFFFFFF  }
0xb5: {  	_ =	strace $0x90000048  }
0xb6: {  	_ =	sfence  }
0xb7: {  	s30 =	sld [smem:$0x0];
	_ =	sdelay $0x2  }
0xb8: {  	s31 =	sshll.u32 s1, $0xD;
	s1 =	sshrl.u32 s1, $0x2  }
0xb9: {  	s3 =	sand.u32 $0x4000, s31;
	s1 =	sadd.s32 s1, s30  }
0xba: {  	s0 =	sor.u32 s3, s0;
	s1 =	sshll.u32 s1, $0x11  }
0xbb: {  	s0 =	sor.u32 s1, s0  }
0xbc: {  	s0 =	sadd.s32 $0x8F2B, s0  }
0xbd: {  	[sflag:s0] =	ssyncadd.remote.s32 $0x1  }
0xbe: {  	_ =	sfence.sel $0xFFFF  }
0xbf: {  	[dreg:$0x0] =	wrdreg $0xFFFFFFFF;
	(pc) =	sbr.abs _section_cstart, $3  }
0xc0: {  	[dreg:$0x1] =	wrdreg $0xFFFFFFFF  }
0xc1: {  	_ =	task.clear_ibuf [dreg:s7], $0x2FFFF;
	_ =	strace $0x9FFFFFFF  }
0xc2: {  	(tm) =	ssettm $0x7FFFFFFF  }
0xc3: {  	_ =	shalt  }
tec
execute0_lowered:
.L_overlay_start_1:
0x0: {  	(tag) =	ssettag $0x1  }
0x1: {  	s1 =	rddreg [dreg:$0x0]  }
0x2: {  	s0 =	rddreg [dreg:$0x1]  }
0x3: {  	s2 =	srdreg.scid;
	s8 =	simm.s32 $0x0;
	s3 =	stileid.u32  }
0x4: {  	s10 =	simm.s32 $0x1000;
	s11 =	simm.s32 $0x7A1400;
	s13 =	simm.s32 $0x1  }
0x5: {  	s14 =	simm.s32 $0x10000;
	s15 =	simm.s32 $0x3;
	s16 =	simm.s32 $0x2  }
0x6: {  	s2 =	sand.u32 $0x1, s2;
	[smem:$0x7FF] =	sst s8;
	s4 =	sshll.u32 s3, $0x1  }
0x7: {  	s5 =	sadd.s32 $0xA00, s0;
	s30 =	sadd.s32 $0xF4200, s1;
	s0 =	sadd.s32 $0x7A1A00, s0  }
0x8: {  	s6 =	ssub.s32 $0x2, s2;
	_ =	strace $0x80000047;
	s4 =	sor.u32 s2, s4  }
0x9: {  	[dreg:$0x4] =	wrdreg s30;
	s7 =	sshrl.u32 s6, $0x1;
	s28 =	sshll.u32 s4, $0x9  }
0xa: {  	v0 =	vlaneseq.u32;
	[dreg:$0x5] =	wrdreg s0;
	s26 =	ssub.s32 s6, s7;
	s29 =	sadd.s32 s1, s28  }
0xb: {  	s19 =	simm.s32 $0x1A000;
	v0 =	vmul.u32 $0x40, v0;
	[dreg:$0x3] =	wrdreg s29;
	s31 =	smax.u32 s26, $0x1  }
0xc: {  	s3 =	simm.s32 $0x8000;
	s2 =	simm.s32 $0x0;
	[dreg:$0x6] =	wrdreg s31  }
.LBB2_1:
0xd: {  	[dreg:$0x7] =	wrdreg s2  }
0xe: {  	s0 =	rddreg [dreg:$0x3];
	s21 =	simm.s32 $0x0  }
0xf: {  	[tilespmem:s8], [sflag:$0x1] =	stream.strided.gather [hbm4b:s0+s10], $0x8000, s11, s10, $0x38;
	[tilespmem:$0x1B000] =	vst v63  }
.LBB2_2:
0x10: {  	s23 =	sshll.u32 s21, $0x6  }
0x11: {  	s24 =	sor.u32 s23, s4  }
0x12: {  	s0 =	sor.u32 $0x20, s24  }
0x13: {  	s22 =	smin.u32 s0, $0x7A0  }
0x14: {  	s0 =	sshll.u32 s22, $0x9  }
0x15: {  	s18 =	simm.s32 $0x0;
	s2 =	simm.s32 $0x0;
	s0 =	sadd.s32 s1, s0  }
0x16: {  	[tilespmem:s3], [sflag:$0x2] =	stream.strided.gather [hbm4b:s0+s10], $0x8000, s11, s10, $0x38;
	[tilespmem:$0x1B000] =	vst v63  }
0x17: {  	s25 =	simm.s32 $0x0;
	s20 =	simm.s32 $0x0;
	s0 =	sand.u32 $0x38, s18  }
0x18: {  	s2 =	sand.u32 $0xC00, s2;
	_ =	swait.ge [sflag:s13], $0x8000;
	s26 =	sshll.u32 s0, $0x9  }
0x19: {  	s25 =	sand.u32 $0x70, s25;
	[sflag:s13] =	ssyncset.done $0x0;
	s2 =	sor.u32 s2, s26  }
0x1a: {  	s6 =	sand.u32 $0xFFFFFC00, s20;
	[sflag:s13] =	ssyncadd.s32 $0xFFFF8000;
	s2 =	sor.u32 s25, s2  }
0x1b: {  	s0 =	sor.u32 s0, s6;
	v1 =	vld [tilespmem:s2+$0x380]  }
0x1c: {  	s25 =	sor.u32 $0x7, s0;
	v2 =	vld [tilespmem:s2+$0x0]  }
0x1d: {  	s28 =	simm.s32 $0x10;
	v3 =	vld [tilespmem:s2+$0x80];
	v4 =	vor.u32 s25, v0  }
0x1e: {  	s9 =	simm.s32 $0x2;
	s7 =	sor.u32 $0x1, s0;
	v6 =	vor.u32 s0, v0;
	s25 =	simm.s32 $0x8;
	v8 =	vld [tilespmem:s2+$0x100]  }
0x1f: {  	s29 =	sor.u32 $0x2, s0;
	s30 =	sor.u32 $0x3, s0;
	v11 =	vor.u32 s7, v0;
	v12 =	vld [tilespmem:s2+$0x180];
	s17 =	sand.u32 $0x38, s25  }
0x20: {  	s31 =	sor.u32 $0x4, s0;
	v14 =	vor.u32 s29, v0;
	s29 =	sand.u32 $0xC00, s28;
	v15 =	vld [tilespmem:s2+$0x200];
	s18 =	sshll.u32 s17, $0x9;
	v5 =	vmul.f32 $8.000000000e+00, v1  }
0x21: {  	s26 =	sand.u32 $0x70, s9;
	v9 =	vld [tilespmem:s2+$0x280];
	s18 =	sor.u32 s29, s18;
	s29 =	simm.s32 $0x80;
	v2 =	vmul.f32 $8.000000000e+00, v2;
	v1 =	vor.u32 s30, v0  }
0x22: {  	s12 =	sor.u32 $0x5, s0;
	v7 =	vld [tilespmem:s2+$0x300];
	s26 =	sor.u32 s26, s18;
	s29 =	sand.u32 $0xFFFFFC00, s29;
	v13 =	vmul.f32 $8.000000000e+00, v3;
	[tilespmem:v4+s14+$0x0] =	vst.idx.msk $0xffff, v5;
	v5 =	vor.u32 s31, v0  }
0x23: {  	s0 =	sor.u32 $0x6, s0;
	v3 =	vor.u32 s12, v0;
	s29 =	sor.u32 s17, s29;
	v10 =	vld [tilespmem:s26+$0x380];
	v16 =	vmul.f32 $8.000000000e+00, v8;
	[tilespmem:v6+s14+$0x0] =	vst.idx.msk $0xffff, v2  }
0x24: {  	v8 =	vld [tilespmem:s26+$0x0];
	s20 =	sor.u32 $0x1, s29;
	s17 =	sor.u32 $0x7, s29;
	s2 =	sor.u32 $0x3, s29;
	v6 =	vor.u32 s0, v0;
	v2 =	vor.u32 s29, v0;
	[tilespmem:v11+s14+$0x0] =	vst.idx.msk $0xffff, v13;
	v13 =	vmul.f32 $8.000000000e+00, v12  }
0x25: {  	s30 =	sor.u32 $0x4, s29;
	s0 =	sor.u32 $0x2, s29;
	v11 =	vld [tilespmem:s26+$0x80];
	v4 =	vor.u32 s20, v0;
	s31 =	sor.u32 $0x5, s29;
	v12 =	vor.u32 s17, v0;
	[tilespmem:v14+s14+$0x0] =	vst.idx.msk $0xffff, v16;
	v14 =	vmul.f32 $8.000000000e+00, v15  }
.LBB2_3:
0x26: {  	s25 =	sadd.s32 $0x8, s25;
	v15 =	vld [tilespmem:s26+$0x100];
	v16 =	vor.u32 s0, v0;
	s0 =	sor.u32 $0x6, s29;
	[tilespmem:v1+s14+$0x0] =	vst.idx.msk $0xffff, v13;
	v1 =	vor.u32 s2, v0;
	v9 =	vmul.f32 $8.000000000e+00, v9;
	s28 =	sadd.s32 $0x10, s28  }
0x27: {  	v17 =	vor.u32 s31, v0;
	s2 =	sand.u32 $0x38, s25;
	p0 =	slt.u32 s25, $0x7F8;
	v13 =	vld [tilespmem:s26+$0x180];
	[tilespmem:v5+s14+$0x0] =	vst.idx.msk $0xffff, v14;
	v5 =	vor.u32 s30, v0;
	v7 =	vmul.f32 $8.000000000e+00, v7;
	s17 =	sshrl.u32 s25, $0x2  }
0x28: {  	s18 =	sand.u32 $0xC00, s28;
	v18 =	vor.u32 s0, v0;
	s29 =	sshll.u32 s2, $0x9;
	v14 =	vld [tilespmem:s26+$0x200];
	v10 =	vmul.f32 $8.000000000e+00, v10;
	[tilespmem:v3+s14+$0x0] =	vst.idx.msk $0xffff, v9;
	v3 =	vmov v17;
	s0 =	sand.u32 $0x70, s17  }
.Ltmp0:
0x29: {  	s17 =	sor.u32 s18, s29;
	s18 =	sshll.u32 s25, $0x4;
	v8 =	vmul.f32 $8.000000000e+00, v8;
	v9 =	vld [tilespmem:s26+$0x280];
	[tilespmem:v6+s14+$0x0] =	vst.idx.msk $0xffff, v7;
	(pc) =	sbr.rel @p0 .LBB2_3-.Ltmp0, $4  }
0x2a: {  	v6 =	vmov v18;
	s18 =	sand.u32 $0xFFFFFC00, s18;
	v11 =	vmul.f32 $8.000000000e+00, v11;
	v7 =	vld [tilespmem:s26+$0x300];
	s26 =	sor.u32 s0, s17;
	[tilespmem:v12+s14+$0x0] =	vst.idx.msk $0xffff, v10  }
0x2b: {  	s29 =	sor.u32 s2, s18;
	v10 =	vld [tilespmem:s26+$0x380];
	[tilespmem:v2+s14+$0x0] =	vst.idx.msk $0xffff, v8;
	v15 =	vmul.f32 $8.000000000e+00, v15  }
0x2c: {  	v8 =	vld [tilespmem:s26+$0x0];
	v2 =	vor.u32 s29, v0;
	s2 =	sor.u32 $0x1, s29;
	s0 =	sor.u32 $0x2, s29;
	s17 =	sor.u32 $0x7, s29;
	[tilespmem:v4+s14+$0x0] =	vst.idx.msk $0xffff, v11;
	v13 =	vmul.f32 $8.000000000e+00, v13  }
0x2d: {  	s30 =	sor.u32 $0x4, s29;
	s31 =	sor.u32 $0x5, s29;
	v11 =	vld [tilespmem:s26+$0x80];
	v4 =	vor.u32 s2, v0;
	s2 =	sor.u32 $0x3, s29;
	v12 =	vor.u32 s17, v0;
	[tilespmem:v16+s14+$0x0] =	vst.idx.msk $0xffff, v15;
	v14 =	vmul.f32 $8.000000000e+00, v14  }
0x2e: {  	_ =	sdelay $0x3  }
0x2f: {  	v15 =	vld [tilespmem:s26+$0x100];
	[tilespmem:v1+s14+$0x0] =	vst.idx.msk $0xffff, v13;
	v1 =	vmul.f32 $8.000000000e+00, v9  }
0x30: {  	v9 =	vld [tilespmem:s26+$0x180];
	[tilespmem:v5+s14+$0x0] =	vst.idx.msk $0xffff, v14;
	v5 =	vmul.f32 $8.000000000e+00, v7  }
0x31: {  	v13 =	vld [tilespmem:s26+$0x200];
	v7 =	vor.u32 s0, v0;
	v10 =	vmul.f32 $8.000000000e+00, v10;
	[tilespmem:v3+s14+$0x0] =	vst.idx.msk $0xffff, v1  }
0x32: {  	v1 =	vor.u32 s2, v0;
	v3 =	vmul.f32 $8.000000000e+00, v8;
	v8 =	vld [tilespmem:s26+$0x280];
	[tilespmem:v6+s14+$0x0] =	vst.idx.msk $0xffff, v5  }
0x33: {  	v5 =	vor.u32 s30, v0;
	v6 =	vmul.f32 $8.000000000e+00, v11;
	v11 =	vld [tilespmem:s26+$0x300];
	[tilespmem:v12+s14+$0x0] =	vst.idx.msk $0xffff, v10  }
0x34: {  	s17 =	sor.u32 $0x6, s29;
	v10 =	vor.u32 s31, v0;
	[tilespmem:v2+s14+$0x0] =	vst.idx.msk $0xffff, v3;
	v2 =	vmul.f32 $8.000000000e+00, v15  }
0x35: {  	v3 =	vor.u32 s17, v0;
	[tilespmem:v4+s14+$0x0] =	vst.idx.msk $0xffff, v6;
	v4 =	vmul.f32 $8.000000000e+00, v9  }
0x36: {  	[tilespmem:v7+s14+$0x0] =	vst.idx.msk $0xffff, v2;
	v2 =	vmul.f32 $8.000000000e+00, v13  }
0x37: {  	[tilespmem:v1+s14+$0x0] =	vst.idx.msk $0xffff, v4;
	v1 =	vmul.f32 $8.000000000e+00, v8  }
0x38: {  	[tilespmem:v5+s14+$0x0] =	vst.idx.msk $0xffff, v2;
	v2 =	vmul.f32 $8.000000000e+00, v11  }
0x39: {  	s18 =	sshll.u32 s24, $0xC;
	[tilespmem:v10+s14+$0x0] =	vst.idx.msk $0xffff, v1  }
0x3a: {  	s20 =	simm.s32 $0x0;
	s0 =	sadd.s32 s5, s18;
	[tilespmem:v3+s14+$0x0] =	vst.idx.msk $0xffff, v2  }
0x3b: {  	[hbm4b:s0+s20] =	stream.linear.scatter [tilespmem:s14], [sflag:$0x3], $0x8000, $0x38;
	[tilespmem:$0x1B000] =	vst v63  }
0x3c: {  	p0 =	seq.s32 s21, $0x1E;
	s0 =	sadd.s32 $0x40, s23  }
0x3d: {  	s0 =	simm.s32 @p0 $0x0  }
0x3e: {  	s0 =	sor.u32 s4, s0  }
0x3f: {  	_ =	swait.ge [sflag:s15], $0x8000;
	s0 =	smin.u32 s0, $0x7A0  }
0x40: {  	[sflag:s15] =	ssyncset.done $0x0;
	s0 =	sshll.u32 s0, $0x9  }
0x41: {  	s24 =	simm.s32 $0x0;
	[sflag:s15] =	ssyncadd.s32 $0xFFFF8000;
	s0 =	sadd.s32 s1, s0  }
0x42: {  	[tilespmem:s20], [sflag:$0x1] =	stream.strided.gather [hbm4b:s0+s10], $0x8000, s11, s10, $0x38;
	[tilespmem:$0x1B000] =	vst v63  }
0x43: {  	s25 =	simm.s32 $0x0;
	s2 =	sand.u32 $0xC00, s20;
	s0 =	sand.u32 $0x38, s24  }
0x44: {  	s17 =	simm.s32 $0x0;
	_ =	swait.ge [sflag:s16], $0x8000;
	s18 =	sshll.u32 s0, $0x9  }
0x45: {  	s17 =	sand.u32 $0x70, s17;
	[sflag:s16] =	ssyncset.done $0x0;
	s2 =	sor.u32 s2, s18  }
0x46: {  	s26 =	sand.u32 $0xFFFFFC00, s25;
	[sflag:s16] =	ssyncadd.s32 $0xFFFF8000;
	s2 =	sor.u32 s17, s2  }
0x47: {  	s0 =	sor.u32 s0, s26;
	v1 =	vld [tilespmem:s2+$0x8380]  }
0x48: {  	s17 =	sor.u32 $0x7, s0;
	v2 =	vld [tilespmem:s2+$0x8000]  }
0x49: {  	s23 =	simm.s32 $0x8;
	v3 =	vld [tilespmem:s2+$0x8080];
	v4 =	vor.u32 s17, v0  }
0x4a: {  	s25 =	simm.s32 $0x10;
	s9 =	sand.u32 $0x38, s23;
	s30 =	sor.u32 $0x1, s0;
	v6 =	vor.u32 s0, v0;
	v8 =	vld [tilespmem:s2+$0x8100]  }
0x4b: {  	s28 =	sand.u32 $0xC00, s25;
	s29 =	sshll.u32 s9, $0x9;
	s31 =	sor.u32 $0x2, s0;
	v11 =	vor.u32 s30, v0;
	v12 =	vld [tilespmem:s2+$0x8180]  }
0x4c: {  	s12 =	simm.s32 $0x2;
	s28 =	sor.u32 s28, s29;
	s6 =	sor.u32 $0x3, s0;
	v14 =	vor.u32 s31, v0;
	v15 =	vld [tilespmem:s2+$0x8200];
	v5 =	vmul.f32 $8.000000000e+00, v1  }
0x4d: {  	s29 =	simm.s32 $0x80;
	s7 =	sor.u32 $0x4, s0;
	s17 =	sand.u32 $0x70, s12;
	v9 =	vld [tilespmem:s2+$0x8280];
	v2 =	vmul.f32 $8.000000000e+00, v2;
	v1 =	vor.u32 s6, v0  }
0x4e: {  	s20 =	sor.u32 $0x5, s0;
	v7 =	vld [tilespmem:s2+$0x8300];
	s24 =	sor.u32 s17, s28;
	s28 =	sand.u32 $0xFFFFFC00, s29;
	v13 =	vmul.f32 $8.000000000e+00, v3;
	[tilespmem:v4+s14+$0x0] =	vst.idx.msk $0xffff, v5;
	v5 =	vor.u32 s7, v0  }
0x4f: {  	s0 =	sor.u32 $0x6, s0;
	s26 =	sor.u32 s9, s28;
	v10 =	vld [tilespmem:s24+$0x8380];
	v3 =	vor.u32 s20, v0;
	v16 =	vmul.f32 $8.000000000e+00, v8;
	[tilespmem:v6+s14+$0x0] =	vst.idx.msk $0xffff, v2  }
0x50: {  	s30 =	sor.u32 $0x1, s26;
	s31 =	sor.u32 $0x7, s26;
	s2 =	sor.u32 $0x3, s26;
	v8 =	vld [tilespmem:s24+$0x8000];
	v6 =	vor.u32 s0, v0;
	v2 =	vor.u32 s26, v0;
	[tilespmem:v11+s14+$0x0] =	vst.idx.msk $0xffff, v13;
	v13 =	vmul.f32 $8.000000000e+00, v12  }
0x51: {  	s28 =	sor.u32 $0x4, s26;
	s29 =	sor.u32 $0x5, s26;
	s0 =	sor.u32 $0x2, s26;
	v11 =	vld [tilespmem:s24+$0x8080];
	v4 =	vor.u32 s30, v0;
	v12 =	vor.u32 s31, v0;
	[tilespmem:v14+s14+$0x0] =	vst.idx.msk $0xffff, v16;
	v14 =	vmul.f32 $8.000000000e+00, v15  }
.LBB2_5:
0x52: {  	s23 =	sadd.s32 $0x8, s23;
	v15 =	vld [tilespmem:s24+$0x8100];
	v16 =	vor.u32 s0, v0;
	s0 =	sor.u32 $0x6, s26;
	[tilespmem:v1+s14+$0x0] =	vst.idx.msk $0xffff, v13;
	v1 =	vor.u32 s2, v0;
	v9 =	vmul.f32 $8.000000000e+00, v9;
	s25 =	sadd.s32 $0x10, s25  }
0x53: {  	v17 =	vor.u32 s29, v0;
	s2 =	sand.u32 $0x38, s23;
	p0 =	slt.u32 s23, $0x7F8;
	v13 =	vld [tilespmem:s24+$0x8180];
	[tilespmem:v5+s14+$0x0] =	vst.idx.msk $0xffff, v14;
	v5 =	vor.u32 s28, v0;
	v7 =	vmul.f32 $8.000000000e+00, v7;
	s17 =	sshrl.u32 s23, $0x2  }
0x54: {  	s18 =	sand.u32 $0xC00, s25;
	v18 =	vor.u32 s0, v0;
	s26 =	sshll.u32 s2, $0x9;
	v14 =	vld [tilespmem:s24+$0x8200];
	v10 =	vmul.f32 $8.000000000e+00, v10;
	[tilespmem:v3+s14+$0x0] =	vst.idx.msk $0xffff, v9;
	v3 =	vmov v17;
	s0 =	sand.u32 $0x70, s17  }
.Ltmp1:
0x55: {  	s17 =	sor.u32 s18, s26;
	s18 =	sshll.u32 s23, $0x4;
	v8 =	vmul.f32 $8.000000000e+00, v8;
	v9 =	vld [tilespmem:s24+$0x8280];
	[tilespmem:v6+s14+$0x0] =	vst.idx.msk $0xffff, v7;
	(pc) =	sbr.rel @p0 .LBB2_5-.Ltmp1, $4  }
0x56: {  	v6 =	vmov v18;
	s18 =	sand.u32 $0xFFFFFC00, s18;
	v11 =	vmul.f32 $8.000000000e+00, v11;
	v7 =	vld [tilespmem:s24+$0x8300];
	s24 =	sor.u32 s0, s17;
	[tilespmem:v12+s14+$0x0] =	vst.idx.msk $0xffff, v10  }
0x57: {  	s26 =	sor.u32 s2, s18;
	v10 =	vld [tilespmem:s24+$0x8380];
	[tilespmem:v2+s14+$0x0] =	vst.idx.msk $0xffff, v8;
	v15 =	vmul.f32 $8.000000000e+00, v15  }
0x58: {  	v8 =	vld [tilespmem:s24+$0x8000];
	v2 =	vor.u32 s26, v0;
	s2 =	sor.u32 $0x1, s26;
	s0 =	sor.u32 $0x2, s26;
	s17 =	sor.u32 $0x7, s26;
	[tilespmem:v4+s14+$0x0] =	vst.idx.msk $0xffff, v11;
	v13 =	vmul.f32 $8.000000000e+00, v13  }
0x59: {  	s28 =	sor.u32 $0x4, s26;
	s29 =	sor.u32 $0x5, s26;
	v11 =	vld [tilespmem:s24+$0x8080];
	v4 =	vor.u32 s2, v0;
	s2 =	sor.u32 $0x3, s26;
	v12 =	vor.u32 s17, v0;
	[tilespmem:v16+s14+$0x0] =	vst.idx.msk $0xffff, v15;
	v14 =	vmul.f32 $8.000000000e+00, v14  }
0x5a: {  	_ =	sdelay $0x3  }
0x5b: {  	v15 =	vld [tilespmem:s24+$0x8100];
	[tilespmem:v1+s14+$0x0] =	vst.idx.msk $0xffff, v13;
	v1 =	vmul.f32 $8.000000000e+00, v9  }
0x5c: {  	v54 =	vld [tilespmem:s24+$0x8180];
	[tilespmem:v5+s14+$0x0] =	vst.idx.msk $0xffff, v14;
	v55 =	vmul.f32 $8.000000000e+00, v7  }
0x5d: {  	v56 =	vor.u32 s0, v0;
	v57 =	vld [tilespmem:s24+$0x8200];
	v10 =	vmul.f32 $8.000000000e+00, v10;
	[tilespmem:v3+s14+$0x0] =	vst.idx.msk $0xffff, v1  }
0x5e: {  	v58 =	vld [tilespmem:s24+$0x8280];
	v1 =	vor.u32 s2, v0;
	v3 =	vmul.f32 $8.000000000e+00, v8;
	[tilespmem:v6+s14+$0x0] =	vst.idx.msk $0xffff, v55  }
0x5f: {  	v59 =	vor.u32 s28, v0;
	v61 =	vld [tilespmem:s24+$0x8300];
	v60 =	vmul.f32 $8.000000000e+00, v11;
	[tilespmem:v12+s14+$0x0] =	vst.idx.msk $0xffff, v10  }
0x60: {  	s30 =	sor.u32 $0x6, s26;
	v62 =	vor.u32 s29, v0;
	[tilespmem:v2+s14+$0x0] =	vst.idx.msk $0xffff, v3;
	v2 =	vmul.f32 $8.000000000e+00, v15  }
0x61: {  	v3 =	vor.u32 s30, v0;
	v63 =	vmul.f32 $8.000000000e+00, v54;
	[tilespmem:v4+s14+$0x0] =	vst.idx.msk $0xffff, v60  }
0x62: {  	[tilespmem:v56+s14+$0x0] =	vst.idx.msk $0xffff, v2;
	v2 =	vmul.f32 $8.000000000e+00, v57  }
0x63: {  	[tilespmem:v1+s14+$0x0] =	vst.idx.msk $0xffff, v63;
	v1 =	vmul.f32 $8.000000000e+00, v58  }
0x64: {  	s21 =	sadd.s32 $0x1, s21;
	[tilespmem:v59+s14+$0x0] =	vst.idx.msk $0xffff, v2;
	v2 =	vmul.f32 $8.000000000e+00, v61  }
0x65: {  	s31 =	sshll.u32 s22, $0xC;
	p0 =	sne.s32 s21, $0x1F;
	[tilespmem:v62+s14+$0x0] =	vst.idx.msk $0xffff, v1  }
.Ltmp2:
0x66: {  	s0 =	sadd.s32 s5, s31;
	[tilespmem:v3+s14+$0x0] =	vst.idx.msk $0xffff, v2;
	(pc) =	sbr.rel @p0 .LBB2_2-.Ltmp2, $4  }
0x67: {  	[hbm4b:s0+s8] =	stream.linear.scatter [tilespmem:s14], [sflag:$0x3], $0x8000, $0x38;
	[tilespmem:$0x1B000] =	vst v63  }
0x68: {  	_ =	swait.ge [sflag:s15], $0x8000  }
0x69: {  	[sflag:s15] =	ssyncset.done $0x0  }
0x6a: {  	[sflag:s15] =	ssyncadd.s32 $0xFFFF8000  }
0x6b: {  	_ =	swait.ge [sflag:s13], $0x8000;
	s2 =	simm.s32 $0x400  }
0x6c: {  	s3 =	simm.s32 $0x18000;
	s22 =	simm.s32 $0x0;
	s23 =	simm.s32 $0x0  }
0x6d: {  	[sflag:s13] =	ssyncset.done $0x0;
	s0 =	rddreg [dreg:$0x4];
	s21 =	sand.u32 $0x38, s22  }
0x6e: {  	s8 =	sand.u32 $0xC0, s22;
	s24 =	sand.u32 $0xC00, s23;
	[sflag:s13] =	ssyncadd.s32 $0xFFFF8000  }
0x6f: {  	[tilespmem:s3], [sflag:$0x3] =	stream.strided.gather [hbm4b:s0+s2], $0x2000, s11, s2, $0x38;
	[tilespmem:$0x1B000] =	vst v63  }
0x70: {  	s9 =	sor.u32 $0x7, s21;
	s17 =	sor.u32 $0x1, s21;
	_ =	swait.ge [sflag:s15], $0x2000  }
0x71: {  	s0 =	sshrl.u32 s8, $0x2;
	s18 =	sshll.u32 s9, $0x7;
	[sflag:s15] =	ssyncset.done $0x0  }
0x72: {  	s31 =	sor.u32 $0x2, s21;
	s18 =	sor.u32 s0, s18;
	[sflag:s15] =	ssyncadd.s32 $0xFFFFE000  }
0x73: {  	s6 =	sor.u32 $0x3, s21;
	s7 =	sor.u32 $0x4, s21;
	s25 =	sor.u32 $0x6, s21;
	v1 =	vld [tilespmem:s18+$0x18000]  }
0x74: {  	s8 =	sor.u32 $0x5, s21;
	s12 =	sshll.u32 s17, $0x7;
	s2 =	sor.u32 s24, s9  }
0x75: {  	s26 =	sshll.u32 s31, $0x7;
	s28 =	sshll.u32 s6, $0x7;
	s29 =	sshll.u32 s7, $0x7;
	v6 =	vor.u32 s2, v0  }
0x76: {  	s20 =	sshll.u32 s25, $0x7;
	s2 =	sshll.u32 s21, $0x7;
	s9 =	sshll.u32 s8, $0x7  }
0x77: {  	s3 =	sor.u32 s0, s28;
	s30 =	sor.u32 s0, s29;
	s18 =	sor.u32 s0, s12  }
0x78: {  	s28 =	sor.u32 s0, s20;
	s20 =	sor.u32 s24, s31;
	s12 =	sor.u32 s0, s26;
	v2 =	vld [tilespmem:s18+$0x18000];
	v7 =	vmul.f32 $8.000000000e+00, v1  }
0x79: {  	s31 =	sor.u32 s24, s6;
	s29 =	sor.u32 s0, s9;
	s18 =	sor.u32 s24, s17;
	v4 =	vld [tilespmem:s12+$0x18000]  }
0x7a: {  	s26 =	sor.u32 s0, s2;
	v5 =	vld [tilespmem:s3+$0x18000];
	s2 =	sor.u32 s24, s7;
	s0 =	sor.u32 s24, s8;
	v3 =	vor.u32 s18, v0;
	v1 =	vor.u32 s20, v0;
	[tilespmem:v6+s19+$0x0] =	vst.idx.msk $0xffff, v7  }
.LBB2_8:
0x7b: {  	s22 =	sadd.s32 $0x8, s22;
	s3 =	sor.u32 s21, s24;
	v6 =	vor.u32 s31, v0;
	v7 =	vld [tilespmem:s30+$0x18000];
	v8 =	vor.u32 s2, v0;
	v9 =	vor.u32 s0, v0;
	s0 =	sor.u32 s24, s25  }
0x7c: {  	s23 =	sadd.s32 $0x80, s23;
	s21 =	sand.u32 $0x38, s22;
	p0 =	slt.u32 s22, $0xF8;
	v10 =	vor.u32 s3, v0;
	v11 =	vld [tilespmem:s29+$0x18000];
	v12 =	vor.u32 s0, v0  }
0x7d: {  	s0 =	sand.u32 $0xC0, s22;
	s2 =	sor.u32 $0x1, s21;
	s3 =	sor.u32 $0x7, s21;
	v2 =	vmul.f32 $8.000000000e+00, v2;
	v13 =	vld [tilespmem:s28+$0x18000]  }
0x7e: {  	s0 =	sshrl.u32 s0, $0x2;
	s6 =	sor.u32 $0x2, s21;
	s7 =	sshll.u32 s3, $0x7;
	v14 =	vld [tilespmem:s26+$0x18000];
	v4 =	vmul.f32 $8.000000000e+00, v4  }
0x7f: {  	s24 =	sand.u32 $0xC00, s23;
	s8 =	sor.u32 $0x3, s21;
	s7 =	sor.u32 s0, s7;
	[tilespmem:v3+s19+$0x0] =	vst.idx.msk $0xffff, v2;
	v2 =	vmul.f32 $8.000000000e+00, v5  }
0x80: {  	s9 =	sor.u32 $0x4, s21;
	s12 =	sor.u32 $0x5, s21;
	s25 =	sor.u32 $0x6, s21;
	v3 =	vld [tilespmem:s7+$0x18000];
	[tilespmem:v1+s19+$0x0] =	vst.idx.msk $0xffff, v4;
	v1 =	vmul.f32 $8.000000000e+00, v7  }
0x81: {  	s3 =	sor.u32 s24, s3;
	s17 =	sshll.u32 s6, $0x7;
	s7 =	sshll.u32 s2, $0x7;
	[tilespmem:v6+s19+$0x0] =	vst.idx.msk $0xffff, v2;
	v2 =	vmul.f32 $8.000000000e+00, v11  }
0x82: {  	s18 =	sshll.u32 s8, $0x7;
	s20 =	sshll.u32 s9, $0x7;
	s26 =	sshll.u32 s12, $0x7;
	v6 =	vor.u32 s3, v0;
	[tilespmem:v8+s19+$0x0] =	vst.idx.msk $0xffff, v1;
	v1 =	vmul.f32 $8.000000000e+00, v13  }
.Ltmp3:
0x83: {  	s28 =	sshll.u32 s25, $0x7;
	s3 =	sshll.u32 s21, $0x7;
	v4 =	vmul.f32 $8.000000000e+00, v14;
	[tilespmem:v9+s19+$0x0] =	vst.idx.msk $0xffff, v2;
	(pc) =	sbr.rel @p0 .LBB2_8-.Ltmp3, $4  }
0x84: {  	s17 =	sor.u32 s0, s17;
	s18 =	sor.u32 s0, s18;
	s7 =	sor.u32 s0, s7;
	[tilespmem:v12+s19+$0x0] =	vst.idx.msk $0xffff, v1  }
0x85: {  	s30 =	sor.u32 s0, s20;
	s29 =	sor.u32 s0, s26;
	s28 =	sor.u32 s0, s28;
	v2 =	vld [tilespmem:s7+$0x18000];
	v7 =	vmul.f32 $8.000000000e+00, v3;
	[tilespmem:v10+s19+$0x0] =	vst.idx.msk $0xffff, v4  }
0x86: {  	s26 =	sor.u32 s0, s3;
	s0 =	sor.u32 s24, s2;
	s2 =	sor.u32 s24, s6;
	v4 =	vld [tilespmem:s17+$0x18000]  }
0x87: {  	s31 =	sor.u32 s24, s8;
	v1 =	vor.u32 s2, v0;
	s2 =	sor.u32 s24, s9;
	v3 =	vor.u32 s0, v0;
	s0 =	sor.u32 s24, s12;
	v5 =	vld [tilespmem:s18+$0x18000];
	[tilespmem:v6+s19+$0x0] =	vst.idx.msk $0xffff, v7  }
0x88: {  	v6 =	vld [tilespmem:s30+$0x18000]  }
0x89: {  	v7 =	vor.u32 s31, v0;
	v8 =	vld [tilespmem:s29+$0x18000]  }
0x8a: {  	v9 =	vor.u32 s2, v0;
	v10 =	vld [tilespmem:s28+$0x18000];
	v2 =	vmul.f32 $8.000000000e+00, v2  }
0x8b: {  	v11 =	vor.u32 s0, v0;
	s25 =	sor.u32 s24, s25;
	v12 =	vld [tilespmem:s26+$0x18000];
	v4 =	vmul.f32 $8.000000000e+00, v4  }
0x8c: {  	s28 =	sor.u32 s21, s24;
	v13 =	vor.u32 s25, v0;
	[tilespmem:v3+s19+$0x0] =	vst.idx.msk $0xffff, v2;
	v2 =	vmul.f32 $8.000000000e+00, v5  }
0x8d: {  	v3 =	vor.u32 s28, v0;
	[tilespmem:v1+s19+$0x0] =	vst.idx.msk $0xffff, v4;
	v1 =	vmul.f32 $8.000000000e+00, v6  }
0x8e: {  	[tilespmem:v7+s19+$0x0] =	vst.idx.msk $0xffff, v2;
	v2 =	vmul.f32 $8.000000000e+00, v8  }
0x8f: {  	[tilespmem:v9+s19+$0x0] =	vst.idx.msk $0xffff, v1;
	v1 =	vmul.f32 $8.000000000e+00, v10  }
0x90: {  	v63 =	vmul.f32 $8.000000000e+00, v12;
	[tilespmem:v11+s19+$0x0] =	vst.idx.msk $0xffff, v2  }
0x91: {  	[tilespmem:v13+s19+$0x0] =	vst.idx.msk $0xffff, v1  }
0x92: {  	[tilespmem:v3+s19+$0x0] =	vst.idx.msk $0xffff, v63  }
0x93: {  	s8 =	simm.s32 $0x0;
	s29 =	rddreg [dreg:$0x5]  }
0x94: {  	[hbm4b:s29+s8] =	stream.linear.scatter [tilespmem:s19], [sflag:$0x3], $0x1000, $0x38;
	[tilespmem:$0x1B000] =	vst v63  }
0x95: {  	_ =	swait.ge [sflag:s15], $0x1000  }
0x96: {  	s30 =	rddreg [dreg:$0x7]  }
0x97: {  	s31 =	rddreg [dreg:$0x6];
	s2 =	sadd.s32 $0x1, s30  }
0x98: {  	p0 =	sne.s32 s2, s31  }
.Ltmp4:
0x99: {  	_ = 	snop;
	(pc) =	sbr.rel @p0 .LBB2_1-.Ltmp4, $3  }
0x9a: {  	_ =	sdelay $0x1  }
0x9b: {  	[sflag:s15] =	ssyncset.done $0x0  }
0x9c: {  	s3 =	simm.s32 $0x8000;
	[sflag:s15] =	ssyncadd.s32 $0xFFFFF000  }
0x9d: {  	_ =	sfence.sel $0x180000  }
0x9e: {  	[bflag:$0x0] =	sbarrier.arrive $0xFFFF  }
0x9f: {  	_ =	strace $0x90000047  }
0xa0: {  	s0 =	stileid.u32;
	[bflag:$0x2] =	sbarrier.arrive $0xFFFF  }
0xa1: {  	p0 =	sne.s32 s0, $0x0;
	s0 =	rddreg [dreg:$0x2]  }
0xa2: {  	s0 =	sadd.s32 @!p0 $0x100000, s0  }
0xa3: {  	[sflag:s0] =	ssyncadd.tile.s32 @!p0 $0x1;
	_ =	shalt  }
.Lfunc_end2:
_tile_overlayer_lowered:
.L_overlay_start_2:
0xa4: {  	(tag) =	ssettag $0x2  }
0xa5: {  	s0 =	rddreg [dreg:$0x0];
	s2 =	stileid.u32  }
0xa6: {  	s1 =	rddreg [dreg:$0x1];
	p0 =	sne.s32 s2, $0x0  }
0xa7: {  	s3 =	rddreg [dreg:$0x2];
	[bflag:$0x3] =	sbarrier.arrive $0xFFFF;
	s2 =	simm.s32 @!p0 $0x1C03  }
0xa8: {  	[timem:s3], [sflag:s2] =	dma.local @!p0 [hbm:s0], s1  }
0xa9: {  	s0 =	simm.s32 @!p0 $0x3  }
0xaa: {  	_ =	swait.ge @!p0 [sflag:s0], s1  }
0xab: {  	s1 =	ssub.s32 @!p0 $0x0, s1;
	[sflag:s0] =	ssyncset.done @!p0 $0x0  }
0xac: {  	[sflag:s0] =	ssyncadd.s32 @!p0 s1  }
0xad: {  	[bflag:$0x3] =	sbarrier.arrive $0xFFFF  }
0xae: {  	_ =	shalt  }

// kernel: kernel.7.cloned.1.call-start
scs
__scs_entry_jumppad:
0x0: {  	(pc) =	sbr.rel $0x88, $3  }
0x1: {  	(tag) =	ssettag $0x0;
	lr =	simm.s32 $0x1  }
0x2: {  	[smem:$0x3F9F] =	sst lr;
	_ =	strace $0xD0000000  }
0x3: {  	_ = 	snop  }
0x4: {  	_ = 	snop  }
0x5: {  	_ = 	snop  }
0x6: {  	_ = 	snop  }
0x7: {  	_ = 	snop  }
__scs_overlays_trampoline_lowered:
0x8: {  	[smem:$0x3FAE] =	sst s0  }
0x9: {  	[smem:$0x3FAF] =	sst s1  }
0xa: {  	[smem:$0x3FB0] =	sst s2  }
0xb: {  	[smem:$0x3FB1] =	sst s3  }
0xc: {  	[smem:$0x3FB2] =	sst s4  }
0xd: {  	[smem:$0x3FB3] =	sst s5  }
0xe: {  	[smem:$0x3FB4] =	sst s6  }
0xf: {  	[smem:$0x3FB5] =	sst s7  }
0x10: {  	[smem:$0x3FB6] =	sst s8  }
0x11: {  	[smem:$0x3FB7] =	sst s9;
	s0 =	simm.s32 @!p0 $0x0  }
0x12: {  	s1 =	sld [smem:$0x3F9D];
	s0 =	simm.s32 @p0 $0x1  }
0x13: {  	[smem:$0x3FB8] =	sst s0;
	s0 =	simm.s32 @!p1 $0x0  }
0x14: {  	s2 =	sld [smem:$0x3F9C];
	s0 =	simm.s32 @p1 $0x1  }
0x15: {  	[smem:$0x3FB9] =	sst s0;
	s0 =	simm.s32 @!p2 $0x0  }
0x16: {  	s3 =	sld [smem:$0x3FDB];
	s0 =	simm.s32 @p2 $0x1  }
0x17: {  	s4 =	simm.s32 $0x1BF5;
	[smem:$0x3FBB] =	sst s0  }
0x18: {  	s0 =	sld [smem:$0x3F9E];
	_ =	swait.ge [sflag:s4], $0x0  }
0x19: {  	s7 =	sld [smem:$0x3F9F]  }
0x1a: {  	s8 =	sadd.s32 $0xFFFFE003, lr  }
0x1b: {  	s9 =	sadd.s32 $0xFFFFFEF7, lr;
	s5 =	simm.s32 $0xFFFFFFFF;
	p2 =	slt.u32 s8, $0xFFFFF086  }
0x1c: {  	p1 =	slt.u32 s9, $0xF7A;
	s5 =	simm.s32 @!p2 $0x0  }
0x1d: {  	s5 =	simm.s32 @p1 $0x1;
	p0 =	seq.s32 s7, s2  }
0x1e: {  	s7 =	smul.u32 @!p0 $0xF7A, s2;
	p2 =	seq.s32 @!p0 s5, $0x0  }
0x1f: {  	s9 =	smul.u32 $0xF7A, s1;
	s8 =	simm.s32 @!p0 $0x1BF5;
	p2 =	por !p2, p0  }
0x20: {  	[sflag:s8] =	ssyncset.s32 @!p0 $0xFFFFF086;
	s6 =	sadd.s32 @!p0 s3, s7;
	s7 =	simm.s32 @!p0 $0x108  }
0x21: {  	s3 =	sadd.s32 s3, s9;
	s6 =	sadd.s32 @!p0 $0x88, s6;
	s7 =	simm.s32 @p2 $0x1082  }
0x22: {  	[simem:s7], [sflag:s8] =	dma.local @!p0 [hbm:s6], $0xF7A  }
0x23: {  	s9 =	sor.u32 $0xD0000000, s2;
	s6 =	simm.s32 $0x108;
	_ =	swait.ge @!p0 [sflag:s8], $0x0  }
0x24: {  	s3 =	sadd.s32 $0x88, s3;
	s6 =	simm.s32 @!p1 $0x1082;
	[sflag:s4] =	ssyncset.s32 $0xFFFFF086  }
0x25: {  	[simem:s6], [sflag:s4] =	dma.local [hbm:s3], $0xF7A  }
0x26: {  	[smem:$0x3F9F] =	sst s1;
	(tag) =	ssettag s2;
	_ =	strace s9  }
0x27: {  	s1 =	sld [smem:$0x3FAF]  }
0x28: {  	s2 =	sld [smem:$0x3FB0]  }
0x29: {  	s4 =	sld [smem:$0x3FB2]  }
0x2a: {  	p0 =	seq.s32 s5, $0x0;
	s5 =	sld [smem:$0x3FB3]  }
0x2b: {  	s6 =	sld [smem:$0x3FB4]  }
0x2c: {  	s7 =	sld [smem:$0x3FB5]  }
0x2d: {  	s3 =	simm.s32 $0x108;
	s8 =	sld [smem:$0x3FB6]  }
0x2e: {  	s3 =	simm.s32 @!p0 $0x1082;
	s9 =	sld [smem:$0x3FB7]  }
0x2f: {  	lr =	sadd.s32 s0, s3;
	s0 =	sld [smem:$0x3FAE]  }
0x30: {  	s3 =	sld [smem:$0x3FB1]  }
0x31: {  	[smem:$0x3FBA] =	sst s10  }
0x32: {  	s10 =	sld [smem:$0x3FB8];
	_ =	sdelay $0x3  }
0x33: {  	p0 =	seq.s32 s10, $0x1;
	s10 =	sld [smem:$0x3FBA];
	_ =	sdelay $0x3  }
0x34: {  	[smem:$0x3FBA] =	sst s10  }
0x35: {  	s10 =	sld [smem:$0x3FB9];
	_ =	sdelay $0x3  }
0x36: {  	p1 =	seq.s32 s10, $0x1;
	s10 =	sld [smem:$0x3FBA];
	_ =	sdelay $0x3  }
0x37: {  	[smem:$0x3FBA] =	sst s10  }
0x38: {  	s10 =	sld [smem:$0x3FBB]  }
0x39: {  	_ = 	snop;
	(pc) =	sbr.ind lr, $3  }
0x3a: {  	_ = 	snop  }
0x3b: {  	_ = 	snop  }
0x3c: {  	p2 =	seq.s32 s10, $0x1;
	s10 =	sld [smem:$0x3FBA]  }
0x3d: {  	_ =	shalt  }
0x3e: {  	_ =	shalt  }
0x3f: {  	_ =	shalt  }
0x40: {  	_ =	shalt  }
0x41: {  	_ =	shalt  }
0x42: {  	_ =	shalt  }
0x43: {  	_ =	shalt  }
0x44: {  	_ =	shalt  }
0x45: {  	_ =	shalt  }
0x46: {  	_ =	shalt  }
0x47: {  	_ =	shalt  }
0x48: {  	_ =	shalt  }
0x49: {  	_ =	shalt  }
0x4a: {  	_ =	shalt  }
0x4b: {  	_ =	shalt  }
0x4c: {  	_ =	shalt  }
0x4d: {  	_ =	shalt  }
0x4e: {  	_ =	shalt  }
0x4f: {  	_ =	shalt  }
0x50: {  	_ =	shalt  }
0x51: {  	_ =	shalt  }
0x52: {  	_ =	shalt  }
0x53: {  	_ =	shalt  }
0x54: {  	_ =	shalt  }
0x55: {  	_ =	shalt  }
0x56: {  	_ =	shalt  }
0x57: {  	_ =	shalt  }
0x58: {  	_ =	shalt  }
0x59: {  	_ =	shalt  }
0x5a: {  	_ =	shalt  }
0x5b: {  	_ =	shalt  }
0x5c: {  	_ =	shalt  }
0x5d: {  	_ =	shalt  }
0x5e: {  	_ =	shalt  }
0x5f: {  	_ =	shalt  }
0x60: {  	_ =	shalt  }
0x61: {  	_ =	shalt  }
0x62: {  	_ =	shalt  }
0x63: {  	_ =	shalt  }
0x64: {  	_ =	shalt  }
0x65: {  	_ =	shalt  }
0x66: {  	_ =	shalt  }
0x67: {  	_ =	shalt  }
0x68: {  	_ =	shalt  }
0x69: {  	_ =	shalt  }
0x6a: {  	_ =	shalt  }
0x6b: {  	_ =	shalt  }
0x6c: {  	_ =	shalt  }
0x6d: {  	_ =	shalt  }
0x6e: {  	_ =	shalt  }
0x6f: {  	_ =	shalt  }
0x70: {  	_ =	shalt  }
0x71: {  	_ =	shalt  }
0x72: {  	_ =	shalt  }
0x73: {  	_ =	shalt  }
0x74: {  	_ =	shalt  }
0x75: {  	_ =	shalt  }
0x76: {  	_ =	shalt  }
0x77: {  	_ =	shalt  }
0x78: {  	_ =	shalt  }
0x79: {  	_ =	shalt  }
0x7a: {  	_ =	shalt  }
0x7b: {  	_ =	shalt  }
0x7c: {  	_ =	shalt  }
0x7d: {  	_ =	shalt  }
0x7e: {  	_ =	shalt  }
0x7f: {  	_ =	shalt  }
0x80: {  	_ =	shalt  }
0x81: {  	_ =	shalt  }
0x82: {  	_ =	shalt  }
0x83: {  	_ =	shalt  }
0x84: {  	_ =	shalt  }
0x85: {  	_ =	shalt  }
0x86: {  	_ =	shalt  }
0x87: {  	_ =	shalt  }
.Lfunc_end0:
.L_simem_size_0:
called_computation.1_lowered:
.L_overlay_start_0:
0x88: {  	s2 =	sld [smem:$0x3FD9]  }
0x89: {  	s3 =	sld [smem:$0x3FFE];
	_ =	sdelay $0x1  }
0x8a: {  	s1 =	srdreg.scid  }
0x8b: {  	s0 =	sand.u32 $0x1, s1  }
0x8c: {  	s17 =	sshll.u32 s0, $0xA;
	s2 =	sadd.s32 s3, s2  }
0x8d: {  	s2 =	sadd.s32 s2, s17  }
0x8e: {  	[smem:$0x3FC6] =	sst s2  }
0x8f: {  	_ = 	snop  }
0x90: {  	s2 =	sld [smem:$0x3FD0];
	(tm) =	ssettm $0x1  }
0x91: {  	s18 =	sld [smem:$0x3FFB];
	_ =	sdelay $0x3  }
0x92: {  	_ =	strace s18  }
0x93: {  	s3 =	sld [smem:$0x3FFC];
	_ =	sdelay $0x3  }
0x94: {  	_ =	strace s3  }
0x95: {  	s3 =	sld [smem:$0x3FFD];
	_ =	sdelay $0x3  }
0x96: {  	_ =	strace s3  }
0x97: {  	_ =	strace $0x8FFFFFFF  }
0x98: {  	s19 =	sld [smem:$0x3FDB];
	_ =	sdelay $0x1  }
0x99: {  	s4 =	simm.s32 $_scs_section_size  }
0x9a: {  	s5 =	simm.s32 $_size__tile_overlayer_lowered;
	s6 =	simm.s32 $_tile_overlayer_lowered  }
0x9b: {  	s22 =	simm.s32 $0x1BFF;
	s21 =	sshll.u32 s6, $0x1;
	s3 =	sadd.s32 s4, s19  }
0x9c: {  	s7 =	simm.s32 $0x0;
	s20 =	sshll.u32 s5, $0x1;
	s5 =	sadd.s32 s21, s3  }
0x9d: {  	[timem:s7], [sflag:s22] =	dma.local [hbm:s5], s20  }
0x9e: {  	_ =	swait.ge [sflag:s22], s20  }
0x9f: {  	s4 =	ssub.s32 $0x0, s20;
	[sflag:s22] =	ssyncset.done $0x0  }
0xa0: {  	[sflag:s22] =	ssyncadd.s32 s4;
	_ =	sdelay $0x1  }
0xa1: {  	s23 =	simm.s32 $0x1B8B  }
0xa2: {  	_ =	swait.ge [sflag:s23], $0x1  }
0xa3: {  	[sflag:s23] =	ssyncset.done $0x0  }
0xa4: {  	s25 =	simm.s32 $0x1B8E;
	s24 =	sld [smem:$0x3FFE];
	[sflag:s23] =	ssyncadd.s32 $0xFFFFFFFF  }
0xa5: {  	s26 =	simm.s32 $execute0_lowered;
	[smem:$0x3FD2] =	sst s25  }
0xa6: {  	s5 =	sshll.u32 s26, $0x1;
	_ =	strace $0x80000049;
	[dreg:$0x1] =	wrdreg $0xFFFFFFFF  }
0xa7: {  	s28 =	simm.s32 $_size_execute0_lowered;
	s3 =	sadd.s32 s3, s5;
	[dreg:$0x0] =	wrdreg $0x0  }
0xa8: {  	s5 =	sshll.u32 s28, $0x1;
	[dreg:$0x2] =	wrdreg s3  }
0xa9: {  	[dreg:$0x3] =	wrdreg s5  }
0xaa: {  	[dreg:$0x4] =	wrdreg $0xC0  }
0xab: {  	_ =	task [dreg:s7], $0x5FFFF  }
0xac: {  	[dreg:$0x1] =	wrdreg $0xFFFFFFFF  }
0xad: {  	[dreg:$0x0] =	wrdreg $0x60  }
0xae: {  	[dreg:$0x2] =	wrdreg s24  }
0xaf: {  	[dreg:$0x3] =	wrdreg s2  }
0xb0: {  	[dreg:$0x4] =	wrdreg $0x9  }
0xb1: {  	_ =	task.clear_ibuf [dreg:s7], $0x5FFFF;
	_ =	strace $0x90000049  }
0xb2: {  	s29 =	simm.s32 $0x9;
	_ =	strace $0x8000004B  }
0xb3: {  	_ =	swait.ge [sflag:s29], $0x1  }
0xb4: {  	[sflag:s29] =	ssyncadd.s32 $0xFFFFFFFF  }
0xb5: {  	_ =	strace $0x9000004B  }
0xb6: {  	_ =	sfence  }
0xb7: {  	s30 =	sld [smem:$0x0];
	_ =	sdelay $0x2  }
0xb8: {  	s31 =	sshll.u32 s1, $0xD;
	s1 =	sshrl.u32 s1, $0x2  }
0xb9: {  	s3 =	sand.u32 $0x4000, s31;
	s1 =	sadd.s32 s1, s30  }
0xba: {  	s0 =	sor.u32 s3, s0;
	s1 =	sshll.u32 s1, $0x11  }
0xbb: {  	s0 =	sor.u32 s1, s0  }
0xbc: {  	s0 =	sadd.s32 $0x8F2B, s0  }
0xbd: {  	[sflag:s0] =	ssyncadd.remote.s32 $0x1  }
0xbe: {  	_ =	sfence.sel $0xFFFF  }
0xbf: {  	[dreg:$0x0] =	wrdreg $0xFFFFFFFF;
	(pc) =	sbr.abs _section_cstart, $3  }
0xc0: {  	[dreg:$0x1] =	wrdreg $0xFFFFFFFF  }
0xc1: {  	_ =	task.clear_ibuf [dreg:s7], $0x2FFFF;
	_ =	strace $0x9FFFFFFF  }
0xc2: {  	(tm) =	ssettm $0x7FFFFFFF  }
0xc3: {  	_ =	shalt  }
tec
execute0_lowered:
.L_overlay_start_1:
0x0: {  	(tag) =	ssettag $0x1  }
0x1: {  	s0 =	rddreg [dreg:$0x0]  }
0x2: {  	s2 =	rddreg [dreg:$0x1];
	s1 =	srdreg.scid  }
0x3: {  	s4 =	stileid.u32;
	s3 =	simm.s32 $0x0;
	s15 =	simm.s32 $0x80  }
0x4: {  	s17 =	simm.s32 $0x3;
	s18 =	simm.s32 $0x6400;
	s20 =	simm.s32 $0x1  }
0x5: {  	s21 =	simm.s32 $0xA400;
	s22 =	simm.s32 $0xA800;
	s23 =	simm.s32 $0xAC00  }
0x6: {  	s24 =	simm.s32 $0xB000;
	s25 =	simm.s32 $0xB400;
	s28 =	simm.s32 $0xBC00  }
0x7: {  	s29 =	simm.s32 $0xC000;
	s30 =	simm.s32 $0x2;
	s1 =	sand.u32 $0x1, s1  }
0x8: {  	s4 =	sshll.u32 s4, $0x1;
	[smem:$0x7FF] =	sst s3;
	s7 =	sadd.s32 $0x1000, s2  }
0x9: {  	s8 =	sadd.s32 $0x2000, s2;
	s9 =	sadd.s32 $0x3000, s2;
	s10 =	sadd.s32 $0x4000, s2  }
0xa: {  	s11 =	sadd.s32 $0x5000, s2;
	s12 =	sadd.s32 $0x6000, s2;
	s5 =	sor.u32 s1, s4  }
0xb: {  	v0 =	vlaneseq.u32;
	s13 =	sadd.s32 $0x7000, s2;
	s1 =	ssub.s32 $0x2, s1;
	s4 =	sshll.u32 s5, $0x4  }
0xc: {  	v1 =	vshrl.u32 v0, $0x3;
	_ =	strace $0x8000004A;
	s26 =	sshrl.u32 s1, $0x1;
	s6 =	sadd.s32 s4, s0  }
0xd: {  	v2 =	vand.u32 $0x7, v0;
	v0 =	vmul.u32 $0x400, v1;
	s4 =	sadd.s32 $0xA00, s0;
	s0 =	ssub.s32 s1, s26;
	s31 =	sadd.s32 $0x7A1C00, s6  }
0xe: {  	v1 =	vmul.u32 $0x80, v2;
	s26 =	simm.s32 $0xB800;
	s0 =	smax.u32 s0, $0x1;
	[dreg:$0x3] =	wrdreg s31  }
0xf: {  	v2 =	vor.u32 $0x800, v0;
	v3 =	vor.u32 $0x1000, v0;
	v4 =	vor.u32 $0x1800, v0;
	s1 =	simm.s32 $0x0;
	s6 =	sshll.u32 s5, $0xA;
	[dreg:$0x4] =	wrdreg s0  }
.LBB2_1:
0x10: {  	[dreg:$0x5] =	wrdreg s1  }
0x11: {  	s0 =	rddreg [dreg:$0x3];
	s31 =	simm.s32 $0x1000  }
0x12: {  	[tilespmem:s3], [sflag:$0x3] =	stream.strided.gather [hbm4b:s0+s15], $0x6400, s31, s15, $0x38;
	[tilespmem:$0xC400] =	vst v63  }
0x13: {  	_ =	swait.ge [sflag:s17], $0x6400  }
0x14: {  	[sflag:s17] =	ssyncset.done $0x0  }
0x15: {  	s0 =	simm.s32 $0x0;
	[sflag:s17] =	ssyncadd.s32 $0xFFFF9C00  }
0x16: {  	[tilespmem:s18], [sflag:$0x1] =	stream.indirect.gather [hbm4b:s4+s15], $0x40, s3, s15, $0xb8;
	[tilespmem:$0xC400] =	vst v63  }
.LBB2_2:
0x17: {  	s1 =	sshllo.u32 s0, $0x1  }
0x18: {  	s5 =	sshll.u32 s1, $0x7  }
0x19: {  	s14 =	simm.s32 $0x8400;
	s5 =	sand.u32 $0x3FFFFF80, s5  }
0x1a: {  	[tilespmem:s14], [sflag:$0x2] =	stream.indirect.gather [hbm4b:s4+s15], $0x40, s5, s15, $0xb8;
	[tilespmem:$0xC400] =	vst v63  }
0x1b: {  	_ =	swait.ge [sflag:s20], $0x2000  }
0x1c: {  	[sflag:s20] =	ssyncset.done $0x0  }
0x1d: {  	s16 =	simm.s32 $0x6440;
	s14 =	simm.s32 $0x0;
	[sflag:s20] =	ssyncadd.s32 $0xFFFFE000  }
0x1e: {  	v6 =	vor.u32 s14, v1;
	v5 =	vld [tilespmem:s16+$0x10]  }
0x1f: {  	v7 =	vand.u32 $0x3FE, v6;
	v12 =	vld [tilespmem:s16+$0xFFFFFFC0]  }
0x20: {  	v16 =	vor.u32 v2, v7;
	v10 =	vld [tilespmem:s16+$0xFFFFFFD0]  }
0x21: {  	s19 =	simm.s32 $0x1;
	v17 =	vor.u32 v3, v7;
	v11 =	vld [tilespmem:s16+$0xFFFFFFE0]  }
0x22: {  	v8 =	vor.u32 s19, v1;
	v15 =	vor.u32 v4, v7;
	v9 =	vld [tilespmem:s16+$0xFFFFFFF0]  }
0x23: {  	v18 =	vand.u32 $0x3FF, v8;
	v6 =	vor.u32 v0, v7;
	v8 =	vld [tilespmem:s16+$0x30]  }
0x24: {  	s31 =	simm.s32 $0x64C0;
	s5 =	simm.s32 $0x0;
	v14 =	vor.u32 v3, v18;
	s14 =	simm.s32 $0x2;
	v7 =	vor.u32 v4, v18;
	v13 =	vld [tilespmem:s16+$0x20]  }
.LBB2_3:
0x25: {  	v19 =	vor.u32 s14, v1;
	v20 =	vld [tilespmem:s31+$0x10];
	s5 =	sadd.s32 $0x8, s5;
	[tilespmem:v16+s21+$0x0] =	vst.idx.msk $0xffff, v10;
	v21 =	vor.u32 v2, v18  }
0x26: {  	v23 =	vor.u32 v0, v18;
	v19 =	vand.u32 $0x3FE, v19;
	p0 =	slt.u32 s5, $0x1F8;
	[tilespmem:v17+s21+$0x0] =	vst.idx.msk $0xffff, v11;
	v22 =	vld [tilespmem:s16+$0x0];
	s16 =	smov.u32 s31  }
0x27: {  	v24 =	vld [tilespmem:s31+$0xFFFFFFC0];
	v11 =	vor.u32 v0, v19;
	[tilespmem:v15+s21+$0x0] =	vst.idx.msk $0xffff, v9  }
.Ltmp0:
0x28: {  	v16 =	vor.u32 v2, v19;
	v10 =	vld [tilespmem:s31+$0xFFFFFFD0];
	[tilespmem:v6+s21+$0x0] =	vst.idx.msk $0xffff, v12;
	v6 =	vmov v11;
	v12 =	vmov v8;
	(pc) =	sbr.rel @p0 .LBB2_3-.Ltmp0, $4  }
0x29: {  	s19 =	sadd.s32 $0x1, s14;
	v17 =	vor.u32 v3, v19;
	v11 =	vld [tilespmem:s31+$0xFFFFFFE0];
	[tilespmem:v14+s21+$0x0] =	vst.idx.msk $0xffff, v13  }
0x2a: {  	v15 =	vor.u32 v4, v19;
	v8 =	vor.u32 s19, v1;
	v9 =	vld [tilespmem:s31+$0xFFFFFFF0];
	[tilespmem:v21+s21+$0x0] =	vst.idx.msk $0xffff, v5;
	v5 =	vmov v20  }
0x2b: {  	v18 =	vand.u32 $0x3FF, v8;
	v8 =	vld [tilespmem:s31+$0x30];
	[tilespmem:v23+s21+$0x0] =	vst.idx.msk $0xffff, v22  }
0x2c: {  	s14 =	sadd.s32 $0x2, s14;
	v14 =	vor.u32 v3, v18;
	s31 =	sadd.s32 $0x80, s31;
	v13 =	vld [tilespmem:s16+$0x20];
	[tilespmem:v7+s21+$0x0] =	vst.idx.msk $0xffff, v12;
	v7 =	vor.u32 v4, v18;
	v12 =	vmov v24  }
0x2d: {  	_ =	sdelay $0x3  }
0x2e: {  	[tilespmem:v16+s21+$0x0] =	vst.idx.msk $0xffff, v10  }
0x2f: {  	v10 =	vor.u32 v2, v18;
	[tilespmem:v6+s21+$0x0] =	vst.idx.msk $0xffff, v12  }
0x30: {  	v16 =	vor.u32 v0, v18;
	[tilespmem:v17+s21+$0x0] =	vst.idx.msk $0xffff, v11;
	v11 =	vld [tilespmem:s16+$0x0]  }
0x31: {  	[tilespmem:v15+s21+$0x0] =	vst.idx.msk $0xffff, v9  }
0x32: {  	s5 =	sshll.u32 s0, $0x13;
	[tilespmem:v7+s21+$0x0] =	vst.idx.msk $0xffff, v8  }
0x33: {  	s5 =	sor.u32 s6, s5;
	[tilespmem:v14+s21+$0x0] =	vst.idx.msk $0xffff, v13  }
0x34: {  	s5 =	sshrl.u32 s5, $0x3;
	[tilespmem:v10+s21+$0x0] =	vst.idx.msk $0xffff, v5  }
0x35: {  	s19 =	simm.s32 $0x0;
	s14 =	sadd.s32 s2, s5;
	[tilespmem:v16+s21+$0x0] =	vst.idx.msk $0xffff, v11  }
0x36: {  	[hbm4b:s14+s19] =	stream.linear.scatter [tilespmem:s21], [sflag:$0x3], $0x400, $0x38;
	[tilespmem:$0xC400] =	vst v63  }
0x37: {  	_ =	swait.ge [sflag:s17], $0x400  }
0x38: {  	[sflag:s17] =	ssyncset.done $0x0  }
0x39: {  	s16 =	sadd.s32 s5, s7;
	[sflag:s17] =	ssyncadd.s32 $0xFFFFFC00  }
0x3a: {  	[hbm4b:s16+s19] =	stream.linear.scatter [tilespmem:s22], [sflag:$0x3], $0x400, $0x38;
	[tilespmem:$0xC400] =	vst v63  }
0x3b: {  	_ =	swait.ge [sflag:s17], $0x400  }
0x3c: {  	[sflag:s17] =	ssyncset.done $0x0  }
0x3d: {  	s16 =	sadd.s32 s5, s8;
	[sflag:s17] =	ssyncadd.s32 $0xFFFFFC00  }
0x3e: {  	[hbm4b:s16+s19] =	stream.linear.scatter [tilespmem:s23], [sflag:$0x3], $0x400, $0x38;
	[tilespmem:$0xC400] =	vst v63  }
0x3f: {  	_ =	swait.ge [sflag:s17], $0x400  }
0x40: {  	[sflag:s17] =	ssyncset.done $0x0  }
0x41: {  	s16 =	sadd.s32 s5, s9;
	[sflag:s17] =	ssyncadd.s32 $0xFFFFFC00  }
0x42: {  	[hbm4b:s16+s19] =	stream.linear.scatter [tilespmem:s24], [sflag:$0x3], $0x400, $0x38;
	[tilespmem:$0xC400] =	vst v63  }
0x43: {  	_ =	swait.ge [sflag:s17], $0x400  }
0x44: {  	[sflag:s17] =	ssyncset.done $0x0  }
0x45: {  	s16 =	sadd.s32 s5, s10;
	[sflag:s17] =	ssyncadd.s32 $0xFFFFFC00  }
0x46: {  	[hbm4b:s16+s19] =	stream.linear.scatter [tilespmem:s25], [sflag:$0x3], $0x400, $0x38;
	[tilespmem:$0xC400] =	vst v63  }
0x47: {  	_ =	swait.ge [sflag:s17], $0x400  }
0x48: {  	[sflag:s17] =	ssyncset.done $0x0  }
0x49: {  	s16 =	sadd.s32 s5, s11;
	[sflag:s17] =	ssyncadd.s32 $0xFFFFFC00  }
0x4a: {  	[hbm4b:s16+s19] =	stream.linear.scatter [tilespmem:s26], [sflag:$0x3], $0x400, $0x38;
	[tilespmem:$0xC400] =	vst v63  }
0x4b: {  	_ =	swait.ge [sflag:s17], $0x400  }
0x4c: {  	[sflag:s17] =	ssyncset.done $0x0  }
0x4d: {  	s16 =	sadd.s32 s5, s12;
	[sflag:s17] =	ssyncadd.s32 $0xFFFFFC00  }
0x4e: {  	[hbm4b:s16+s19] =	stream.linear.scatter [tilespmem:s28], [sflag:$0x3], $0x400, $0x38;
	[tilespmem:$0xC400] =	vst v63  }
0x4f: {  	_ =	swait.ge [sflag:s17], $0x400  }
0x50: {  	[sflag:s17] =	ssyncset.done $0x0  }
0x51: {  	s5 =	sadd.s32 s5, s13;
	[sflag:s17] =	ssyncadd.s32 $0xFFFFFC00  }
0x52: {  	[hbm4b:s5+s19] =	stream.linear.scatter [tilespmem:s29], [sflag:$0x3], $0x400, $0x38;
	[tilespmem:$0xC400] =	vst v63  }
0x53: {  	s16 =	sshll.u32 s0, $0x8;
	_ =	swait.ge [sflag:s17], $0x400  }
0x54: {  	p0 =	seq.s32 s0, $0x63;
	s5 =	sadd.s32 $0x100, s16;
	[sflag:s17] =	ssyncset.done $0x0  }
0x55: {  	s5 =	simm.s32 @p0 $0x0;
	[sflag:s17] =	ssyncadd.s32 $0xFFFFFC00  }
0x56: {  	[tilespmem:s18], [sflag:$0x1] =	stream.indirect.gather [hbm4b:s4+s15], $0x40, s5, s15, $0xb8;
	[tilespmem:$0xC400] =	vst v63  }
0x57: {  	_ =	swait.ge [sflag:s30], $0x2000  }
0x58: {  	[sflag:s30] =	ssyncset.done $0x0  }
0x59: {  	s16 =	simm.s32 $0x8440;
	[sflag:s30] =	ssyncadd.s32 $0xFFFFE000  }
0x5a: {  	v6 =	vor.u32 s19, v1;
	v5 =	vld [tilespmem:s16+$0x10]  }
0x5b: {  	v7 =	vand.u32 $0x3FE, v6;
	v12 =	vld [tilespmem:s16+$0xFFFFFFC0]  }
0x5c: {  	v16 =	vor.u32 v2, v7;
	v10 =	vld [tilespmem:s16+$0xFFFFFFD0]  }
0x5d: {  	v17 =	vor.u32 v3, v7;
	s19 =	simm.s32 $0x1;
	v11 =	vld [tilespmem:s16+$0xFFFFFFE0]  }
0x5e: {  	v15 =	vor.u32 v4, v7;
	v8 =	vor.u32 s19, v1;
	v9 =	vld [tilespmem:s16+$0xFFFFFFF0]  }
0x5f: {  	v6 =	vor.u32 v0, v7;
	v18 =	vand.u32 $0x3FF, v8;
	v8 =	vld [tilespmem:s16+$0x30]  }
0x60: {  	s31 =	simm.s32 $0x84C0;
	s14 =	simm.s32 $0x2;
	v14 =	vor.u32 v3, v18;
	v7 =	vor.u32 v4, v18;
	s5 =	simm.s32 $0x0;
	v13 =	vld [tilespmem:s16+$0x20]  }
.LBB2_5:
0x61: {  	v19 =	vor.u32 s14, v1;
	v20 =	vld [tilespmem:s31+$0x10];
	s5 =	sadd.s32 $0x8, s5;
	[tilespmem:v16+s21+$0x0] =	vst.idx.msk $0xffff, v10;
	v21 =	vor.u32 v2, v18  }
0x62: {  	v23 =	vor.u32 v0, v18;
	v19 =	vand.u32 $0x3FE, v19;
	p0 =	slt.u32 s5, $0x1F8;
	[tilespmem:v17+s21+$0x0] =	vst.idx.msk $0xffff, v11;
	v22 =	vld [tilespmem:s16+$0x0];
	s16 =	smov.u32 s31  }
0x63: {  	v24 =	vld [tilespmem:s31+$0xFFFFFFC0];
	v11 =	vor.u32 v0, v19;
	[tilespmem:v15+s21+$0x0] =	vst.idx.msk $0xffff, v9  }
.Ltmp1:
0x64: {  	v16 =	vor.u32 v2, v19;
	v10 =	vld [tilespmem:s31+$0xFFFFFFD0];
	[tilespmem:v6+s21+$0x0] =	vst.idx.msk $0xffff, v12;
	v6 =	vmov v11;
	v12 =	vmov v8;
	(pc) =	sbr.rel @p0 .LBB2_5-.Ltmp1, $4  }
0x65: {  	s19 =	sadd.s32 $0x1, s14;
	v17 =	vor.u32 v3, v19;
	v11 =	vld [tilespmem:s31+$0xFFFFFFE0];
	[tilespmem:v14+s21+$0x0] =	vst.idx.msk $0xffff, v13  }
0x66: {  	v15 =	vor.u32 v4, v19;
	v8 =	vor.u32 s19, v1;
	v9 =	vld [tilespmem:s31+$0xFFFFFFF0];
	[tilespmem:v21+s21+$0x0] =	vst.idx.msk $0xffff, v5;
	v5 =	vmov v20  }
0x67: {  	v18 =	vand.u32 $0x3FF, v8;
	v8 =	vld [tilespmem:s31+$0x30];
	[tilespmem:v23+s21+$0x0] =	vst.idx.msk $0xffff, v22  }
0x68: {  	s14 =	sadd.s32 $0x2, s14;
	v14 =	vor.u32 v3, v18;
	s31 =	sadd.s32 $0x80, s31;
	v13 =	vld [tilespmem:s16+$0x20];
	[tilespmem:v7+s21+$0x0] =	vst.idx.msk $0xffff, v12;
	v7 =	vor.u32 v4, v18;
	v12 =	vmov v24  }
0x69: {  	_ =	sdelay $0x3  }
0x6a: {  	[tilespmem:v16+s21+$0x0] =	vst.idx.msk $0xffff, v10  }
0x6b: {  	v61 =	vor.u32 v2, v18;
	[tilespmem:v6+s21+$0x0] =	vst.idx.msk $0xffff, v12  }
0x6c: {  	v62 =	vld [tilespmem:s16+$0x0];
	v63 =	vor.u32 v0, v18;
	[tilespmem:v17+s21+$0x0] =	vst.idx.msk $0xffff, v11  }
0x6d: {  	[tilespmem:v15+s21+$0x0] =	vst.idx.msk $0xffff, v9  }
0x6e: {  	s1 =	sshll.u32 s1, $0x12;
	[tilespmem:v7+s21+$0x0] =	vst.idx.msk $0xffff, v8  }
0x6f: {  	s1 =	sor.u32 s6, s1;
	[tilespmem:v14+s21+$0x0] =	vst.idx.msk $0xffff, v13  }
0x70: {  	s1 =	sshrl.u32 s1, $0x3;
	[tilespmem:v61+s21+$0x0] =	vst.idx.msk $0xffff, v5  }
0x71: {  	s5 =	sadd.s32 s2, s1;
	[tilespmem:v63+s21+$0x0] =	vst.idx.msk $0xffff, v62  }
0x72: {  	[hbm4b:s5+s3] =	stream.linear.scatter [tilespmem:s21], [sflag:$0x3], $0x400, $0x38;
	[tilespmem:$0xC400] =	vst v63  }
0x73: {  	_ =	swait.ge [sflag:s17], $0x400  }
0x74: {  	[sflag:s17] =	ssyncset.done $0x0  }
0x75: {  	s19 =	sadd.s32 s1, s7;
	[sflag:s17] =	ssyncadd.s32 $0xFFFFFC00  }
0x76: {  	[hbm4b:s19+s3] =	stream.linear.scatter [tilespmem:s22], [sflag:$0x3], $0x400, $0x38;
	[tilespmem:$0xC400] =	vst v63  }
0x77: {  	_ =	swait.ge [sflag:s17], $0x400  }
0x78: {  	[sflag:s17] =	ssyncset.done $0x0  }
0x79: {  	s31 =	sadd.s32 s1, s8;
	[sflag:s17] =	ssyncadd.s32 $0xFFFFFC00  }
0x7a: {  	[hbm4b:s31+s3] =	stream.linear.scatter [tilespmem:s23], [sflag:$0x3], $0x400, $0x38;
	[tilespmem:$0xC400] =	vst v63  }
0x7b: {  	_ =	swait.ge [sflag:s17], $0x400  }
0x7c: {  	[sflag:s17] =	ssyncset.done $0x0  }
0x7d: {  	s14 =	sadd.s32 s1, s9;
	[sflag:s17] =	ssyncadd.s32 $0xFFFFFC00  }
0x7e: {  	[hbm4b:s14+s3] =	stream.linear.scatter [tilespmem:s24], [sflag:$0x3], $0x400, $0x38;
	[tilespmem:$0xC400] =	vst v63  }
0x7f: {  	_ =	swait.ge [sflag:s17], $0x400  }
0x80: {  	[sflag:s17] =	ssyncset.done $0x0  }
0x81: {  	s16 =	sadd.s32 s1, s10;
	[sflag:s17] =	ssyncadd.s32 $0xFFFFFC00  }
0x82: {  	[hbm4b:s16+s3] =	stream.linear.scatter [tilespmem:s25], [sflag:$0x3], $0x400, $0x38;
	[tilespmem:$0xC400] =	vst v63  }
0x83: {  	_ =	swait.ge [sflag:s17], $0x400  }
0x84: {  	[sflag:s17] =	ssyncset.done $0x0  }
0x85: {  	s19 =	sadd.s32 s1, s11;
	[sflag:s17] =	ssyncadd.s32 $0xFFFFFC00  }
0x86: {  	[hbm4b:s19+s3] =	stream.linear.scatter [tilespmem:s26], [sflag:$0x3], $0x400, $0x38;
	[tilespmem:$0xC400] =	vst v63  }
0x87: {  	_ =	swait.ge [sflag:s17], $0x400  }
0x88: {  	[sflag:s17] =	ssyncset.done $0x0  }
0x89: {  	s31 =	sadd.s32 s1, s12;
	[sflag:s17] =	ssyncadd.s32 $0xFFFFFC00  }
0x8a: {  	[hbm4b:s31+s3] =	stream.linear.scatter [tilespmem:s28], [sflag:$0x3], $0x400, $0x38;
	[tilespmem:$0xC400] =	vst v63  }
0x8b: {  	s0 =	sadd.s32 $0x1, s0;
	_ =	swait.ge [sflag:s17], $0x400  }
0x8c: {  	p0 =	sne.s32 s0, $0x64;
	[sflag:s17] =	ssyncset.done $0x0  }
.Ltmp2:
0x8d: {  	s1 =	sadd.s32 s1, s13;
	[sflag:s17] =	ssyncadd.s32 $0xFFFFFC00;
	(pc) =	sbr.rel @p0 .LBB2_2-.Ltmp2, $4  }
0x8e: {  	[hbm4b:s1+s3] =	stream.linear.scatter [tilespmem:s29], [sflag:$0x3], $0x400, $0x38;
	[tilespmem:$0xC400] =	vst v63  }
0x8f: {  	_ =	swait.ge [sflag:s17], $0x400  }
0x90: {  	[sflag:s17] =	ssyncset.done $0x0  }
0x91: {  	[sflag:s17] =	ssyncadd.s32 $0xFFFFFC00  }
0x92: {  	_ =	swait.ge [sflag:s20], $0x2000  }
0x93: {  	s1 =	rddreg [dreg:$0x5]  }
0x94: {  	s0 =	rddreg [dreg:$0x4];
	s1 =	sadd.s32 $0x1, s1  }
0x95: {  	p0 =	sne.s32 s1, s0  }
.Ltmp3:
0x96: {  	_ = 	snop;
	(pc) =	sbr.rel @p0 .LBB2_1-.Ltmp3, $3  }
0x97: {  	_ =	sdelay $0x1  }
0x98: {  	[sflag:s20] =	ssyncset.done $0x0  }
0x99: {  	[sflag:s20] =	ssyncadd.s32 $0xFFFFE000  }
0x9a: {  	_ =	sfence.sel $0x180000  }
0x9b: {  	[bflag:$0x0] =	sbarrier.arrive $0xFFFF  }
0x9c: {  	_ =	strace $0x9000004A  }
0x9d: {  	s0 =	stileid.u32;
	[bflag:$0x2] =	sbarrier.arrive $0xFFFF  }
0x9e: {  	p0 =	sne.s32 s0, $0x0;
	s0 =	rddreg [dreg:$0x2]  }
0x9f: {  	s0 =	sadd.s32 @!p0 $0x100000, s0  }
0xa0: {  	[sflag:s0] =	ssyncadd.tile.s32 @!p0 $0x1;
	_ =	shalt  }
.Lfunc_end2:
_tile_overlayer_lowered:
.L_overlay_start_2:
0xa1: {  	(tag) =	ssettag $0x2  }
0xa2: {  	s0 =	rddreg [dreg:$0x0];
	s2 =	stileid.u32  }
0xa3: {  	s1 =	rddreg [dreg:$0x1];
	p0 =	sne.s32 s2, $0x0  }
0xa4: {  	s3 =	rddreg [dreg:$0x2];
	[bflag:$0x3] =	sbarrier.arrive $0xFFFF;
	s2 =	simm.s32 @!p0 $0x1C03  }
0xa5: {  	[timem:s3], [sflag:s2] =	dma.local @!p0 [hbm:s0], s1  }
0xa6: {  	s0 =	simm.s32 @!p0 $0x3  }
0xa7: {  	_ =	swait.ge @!p0 [sflag:s0], s1  }
0xa8: {  	s1 =	ssub.s32 @!p0 $0x0, s1;
	[sflag:s0] =	ssyncset.done @!p0 $0x0  }
0xa9: {  	[sflag:s0] =	ssyncadd.s32 @!p0 s1  }
0xaa: {  	[bflag:$0x3] =	sbarrier.arrive $0xFFFF  }
0xab: {  	_ =	shalt  }

</sc_bundles>
